<compile_context>
chip_gen: v7x
topology: tpu7x:2x2x1
jax: 0.10.2.dev20260603
libtpu: 0.0.44.dev20260713+nightly
codegen_flags: <defaults>
</compile_context>

<pallas_src>
import functools

import jax
import jax.numpy as jnp
from jax import lax
from jax.experimental import pallas as pl
from jax.experimental.pallas import tpu as pltpu
from jax.experimental.pallas import tpu_sc as plsc

NC = 2
NS = 16
NW = NC * NS
CH = 128


def _mm(a, b):
    return jax.lax.dot_general(a, b, (((1,), (0,)), ((), ())),
                               precision=jax.lax.Precision.HIGHEST,
                               preferred_element_type=jnp.float32)


def _fold_body(w1t_ref, wrelt_ref, wroott_ref, brel_ref, b1_ref,
               mut_ref, mvt_ref, c_ref):
    w1t = w1t_ref[...]
    mut_ref[...] = _mm(wrelt_ref[...], w1t)
    mvt_ref[...] = _mm(wroott_ref[...], w1t)
    c_ref[...] = _mm(brel_ref[...], w1t) + b1_ref[...]


def _uv_body(x_ref, mut_ref, mvt_ref, u_ref, v_ref):
    xb = x_ref[...]
    u_ref[...] = _mm(xb, mut_ref[...])
    v_ref[...] = _mm(xb, mvt_ref[...])


def _head_body(a0_ref, a1_ref, v_ref, c_ref, w2_ref, b2_ref, out_ref):
    z = jnp.maximum(a0_ref[...] + a1_ref[...] + v_ref[...] + c_ref[...], 0.0)
    out_ref[...] = jnp.sum(z * w2_ref[...], axis=1) + b2_ref[0, 0]


NBUF = 2
RING = 4


def _make_sc_scatter(N_pad, H, NCHUNK):
    mesh = plsc.VectorSubcoreMesh(core_axis_name="c", subcore_axis_name="s",
                                  num_cores=NC, num_subcores=NS)
    rows_per_tile = N_pad // NS

    @functools.partial(
        pl.kernel,
        out_type=jax.ShapeDtypeStruct((NC, N_pad, H), jnp.float32),
        mesh=mesh,
        scratch_types=[
            pltpu.VMEM((NCHUNK + NBUF, CH), jnp.int32),
            pltpu.VMEM((NCHUNK, CH), jnp.int32),
            pltpu.VMEM((RING, CH, H), jnp.float32),
            pltpu.VMEM_SHARED((N_pad, H), jnp.float32),
        ] + [pltpu.SemaphoreType.DMA] * (2 * RING),
        compiler_params=pltpu.CompilerParams(use_tc_tiling_on_sc=False),
    )
    def sc_scatter(u_hbm, srcw_hbm, dstw_hbm, zeros_hbm, out_hbm,
                   src_v, dst_v, rows_v, agg_sh, *sems):
        gsems = sems[:RING]
        ssems = sems[RING:]
        cid = lax.axis_index("c")
        sid = lax.axis_index("s")
        wid = sid * NC + cid
        off = sid * rows_per_tile
        pltpu.sync_copy(srcw_hbm.at[pl.ds(wid * NCHUNK, NCHUNK)],
                        src_v.at[pl.ds(0, NCHUNK)])
        pltpu.async_copy(u_hbm.at[src_v.at[0]], rows_v.at[0], gsems[0])
        pltpu.async_copy(u_hbm.at[src_v.at[1]], rows_v.at[1], gsems[1])
        for r_ in range(NBUF):
            for k_ in range(CH // 16):
                src_v[NCHUNK + r_, pl.ds(16 * k_, 16)] = jnp.zeros(
                    (16,), jnp.int32)
        pltpu.sync_copy(dstw_hbm.at[pl.ds(wid * NCHUNK, NCHUNK)], dst_v)
        pltpu.sync_copy(zeros_hbm.at[pl.ds(off, rows_per_tile)],
                        agg_sh.at[pl.ds(off, rows_per_tile)])
        plsc.subcore_barrier()

        def body(r, carry):
            for b in range(RING):
                i = r * RING + b
                b2 = (b + 2) % RING
                pltpu.make_async_copy(u_hbm.at[src_v.at[0]], rows_v.at[b],
                                      gsems[b]).wait()
                pltpu.async_copy(rows_v.at[b], agg_sh.at[dst_v.at[i]],
                                 ssems[b], add=True)

                @pl.when(jnp.logical_or(r > 0, b >= 2))
                def _():
                    pltpu.make_async_copy(rows_v.at[b2],
                                          agg_sh.at[dst_v.at[0]],
                                          ssems[b2]).wait()

                pltpu.async_copy(u_hbm.at[src_v.at[i + 2]], rows_v.at[b2],
                                 gsems[b2])
            return carry

        lax.fori_loop(0, NCHUNK // RING, body, 0)
        for b in (2, 3):
            pltpu.make_async_copy(rows_v.at[b], agg_sh.at[dst_v.at[0]],
                                  ssems[b]).wait()
        for b in (0, 1):
            pltpu.make_async_copy(u_hbm.at[src_v.at[0]], rows_v.at[b],
                                  gsems[b]).wait()
        plsc.subcore_barrier()
        pltpu.sync_copy(agg_sh.at[pl.ds(off, rows_per_tile)],
                        out_hbm.at[cid, pl.ds(off, rows_per_tile)])

    return sc_scatter


def kernel(x, edge_index, W_rel, b_rel, W_root, W1, b1, W2, b2):
    N, D = x.shape
    E = edge_index.shape[1]
    H = W1.shape[0]

    N_pad = 10240
    BN = 2048
    NCHUNK = -(-E // (NW * CH))
    NCHUNK = -(-NCHUNK // RING) * RING
    E_pad = NW * CH * NCHUNK

    brel2 = b_rel.reshape(1, D)
    b12 = b1.reshape(1, H)
    mut, mvt, c = pl.pallas_call(
        _fold_body,
        out_shape=(jax.ShapeDtypeStruct((D, H), jnp.float32),
                   jax.ShapeDtypeStruct((D, H), jnp.float32),
                   jax.ShapeDtypeStruct((1, H), jnp.float32)),
    )(W1.T, W_rel.T, W_root.T, brel2, b12)

    x_pad = jnp.zeros((N_pad, D), jnp.float32).at[:N].set(x)
    grid = (N_pad // BN,)
    u, v = pl.pallas_call(
        _uv_body,
        grid=grid,
        in_specs=[
            pl.BlockSpec((BN, D), lambda i: (i, 0)),
            pl.BlockSpec((D, H), lambda i: (0, 0)),
            pl.BlockSpec((D, H), lambda i: (0, 0)),
        ],
        out_specs=(pl.BlockSpec((BN, H), lambda i: (i, 0)),
                   pl.BlockSpec((BN, H), lambda i: (i, 0))),
        out_shape=(jax.ShapeDtypeStruct((N_pad, H), jnp.float32),
                   jax.ShapeDtypeStruct((N_pad, H), jnp.float32)),
    )(x_pad, mut, mvt)

    src = edge_index[0].astype(jnp.int32)
    dst = edge_index[1].astype(jnp.int32)
    src_p = jnp.full((E_pad,), N, jnp.int32).at[:E].set(src)
    dst_p = jnp.full((E_pad,), N, jnp.int32).at[:E].set(dst)
    srcw = src_p.reshape(NW * NCHUNK, CH)
    dstw = dst_p.reshape(NW * NCHUNK, CH)
    zeros_hbm = jnp.zeros((N_pad, H), jnp.float32)

    aggp = _make_sc_scatter(N_pad, H, NCHUNK)(u, srcw, dstw, zeros_hbm)

    b22 = b2.reshape(1, 1)
    out1d = pl.pallas_call(
        _head_body,
        grid=grid,
        in_specs=[
            pl.BlockSpec((BN, H), lambda i: (i, 0)),
            pl.BlockSpec((BN, H), lambda i: (i, 0)),
            pl.BlockSpec((BN, H), lambda i: (i, 0)),
            pl.BlockSpec((1, H), lambda i: (0, 0)),
            pl.BlockSpec((1, H), lambda i: (0, 0)),
            pl.BlockSpec((1, 1), lambda i: (0, 0)),
        ],
        out_specs=pl.BlockSpec((BN,), lambda i: (i,)),
        out_shape=jax.ShapeDtypeStruct((N_pad,), jnp.float32),
    )(aggp[0], aggp[1], v, c, W2, b22)

    return out1d[:N]

# --- scband reference (transcript-rebuilt; emitter-appended) ---
"""Pipeline reference for scband-node-voltage-gcn-2396591751277 (READ-ONLY COPY).

The authoritative reference and input builder live on the scoring server;
editing this copy changes nothing except your own understanding.
"""

import jax, jax.numpy as jnp
import numpy as np

N = 10000
E = 320000
D = 128

def setup_inputs(seed: int = 0) -> dict:
    key = jax.random.key(seed)
    ks = jax.random.split(key, 10)
    x = jax.random.normal(ks[0], (N, D), dtype=jnp.float32)
    edge_index = jax.random.randint(ks[1], (2, E), 0, N, dtype=jnp.int64)
    # GraphConv params (PyG-style): lin_rel (with bias) applied to aggregated
    # neighbor features, lin_root (no bias) applied to root/self features.
    s = 1.0 / np.sqrt(D)
    W_rel = jax.random.uniform(ks[2], (D, D), dtype=jnp.float32, minval=-s, maxval=s)
    b_rel = jax.random.uniform(ks[3], (D,), dtype=jnp.float32, minval=-s, maxval=s)
    W_root = jax.random.uniform(ks[4], (D, D), dtype=jnp.float32, minval=-s, maxval=s)
    # MLP: Linear(D, D//2) -> ReLU -> Linear(D//2, 1)
    W1 = jax.random.uniform(ks[5], (D // 2, D), dtype=jnp.float32, minval=-s, maxval=s)
    b1 = jax.random.uniform(ks[6], (D // 2,), dtype=jnp.float32, minval=-s, maxval=s)
    s2 = 1.0 / np.sqrt(D // 2)
    W2 = jax.random.uniform(ks[7], (1, D // 2), dtype=jnp.float32, minval=-s2, maxval=s2)
    b2 = jax.random.uniform(ks[8], (1,), dtype=jnp.float32, minval=-s2, maxval=s2)
    return {"x": x, "edge_index": edge_index, "W_rel": W_rel, "b_rel": b_rel,
            "W_root": W_root, "W1": W1, "b1": b1, "W2": W2, "b2": b2}

def reference(x, edge_index, W_rel, b_rel, W_root, W1, b1, W2, b2):
    src = edge_index[0]
    dst = edge_index[1]
    # message passing: gather source features, scatter-add at destination (sum aggr)
    msgs = jnp.take(x, src, axis=0)
    agg = jax.ops.segment_sum(msgs, dst, num_segments=x.shape[0])
    # GraphConv: lin_rel(agg) + lin_root(x)
    h = agg @ W_rel.T + b_rel + x @ W_root.T
    # MLP head
    z = jax.nn.relu(h @ W1.T + b1)
    out = z @ W2.T + b2
    return out[:, 0]

if __name__ == "__main__":
    import jax
    _d = setup_inputs()
    print(jax.jit(kernel)(*tuple(_d.values())))

</pallas_src>

<mosaic_0001>
#map = affine_map<(d0, d1) -> (0, 0)>
#map1 = affine_map<(d0, d1) -> (0, 0, 0)>
module attributes {stable_mosaic.version = 14 : i64} {
  func.func @sc_scatter(%arg0: i32, %arg1: i32, %arg2: memref<10240x64xf32, #tpu.memory_space<hbm>>, %arg3: memref<2560x128xi32, #tpu.memory_space<hbm>>, %arg4: memref<2560x128xi32, #tpu.memory_space<hbm>>, %arg5: memref<10240x64xf32, #tpu.memory_space<hbm>>, %arg6: memref<2x10240x64xf32, #tpu.memory_space<hbm>>, %arg7: memref<82x128xi32, #tpu.memory_space<vmem>>, %arg8: memref<80x128xi32, #tpu.memory_space<vmem>>, %arg9: memref<4x128x64xf32, #tpu.memory_space<vmem>>, %arg10: memref<10240x64xf32, #tpu.memory_space<vmem_shared>>, %arg11: memref<!tpu.dma_semaphore, #tpu.memory_space<semaphore_mem>>, %arg12: memref<!tpu.dma_semaphore, #tpu.memory_space<semaphore_mem>>, %arg13: memref<!tpu.dma_semaphore, #tpu.memory_space<semaphore_mem>>, %arg14: memref<!tpu.dma_semaphore, #tpu.memory_space<semaphore_mem>>, %arg15: memref<!tpu.dma_semaphore, #tpu.memory_space<semaphore_mem>>, %arg16: memref<!tpu.dma_semaphore, #tpu.memory_space<semaphore_mem>>, %arg17: memref<!tpu.dma_semaphore, #tpu.memory_space<semaphore_mem>>, %arg18: memref<!tpu.dma_semaphore, #tpu.memory_space<semaphore_mem>>) attributes {dimension_semantics = [#tpu.dimension_semantics<core_parallel>, #tpu.dimension_semantics<subcore_parallel>], iteration_bounds = array<i64: 2, 16>, scalar_prefetch = 0 : i64, scratch_operands = 12 : i64, tpu.core_type = #tpu.core_type<sc_vector_subcore>, window_params = [{transform_indices = #map}, {transform_indices = #map}, {transform_indices = #map}, {transform_indices = #map}, {transform_indices = #map1}]} {
    %mul3A = arith.constant 2 : i32
    %mul3A_0 = arith.muli %arg1, %mul3A : i32
    %add3A = arith.addi %mul3A_0, %arg0 : i32
    %mul3A_1 = arith.constant 640 : i32
    %mul3A_2 = arith.muli %arg1, %mul3A_1 : i32
    %mul3A_3 = arith.constant 80 : i32
    %mul3A_4 = arith.muli %add3A, %mul3A_3 : i32
    "tpu.region"() ({
      %run_scoped3A = tpu.sem_alloc : memref<!tpu.dma_semaphore, #tpu.memory_space<semaphore_mem>>
      %dma_start3A_209 = arith.constant 0 : i32
      %dma_start3A_210 = arith.constant 0 : i32
      %dma_start3A_211 = tpu.memref_slice %arg7[%dma_start3A_209, %dma_start3A_210] : memref<82x128xi32, #tpu.memory_space<vmem>> -> memref<80x128xi32, #tpu.memory_space<vmem>>
      %dma_start3A_212 = arith.constant 0 : i32
      %dma_start3A_213 = tpu.memref_slice %arg3[%mul3A_4, %dma_start3A_212] : memref<2560x128xi32, #tpu.memory_space<hbm>> -> memref<80x128xi32, #tpu.memory_space<hbm>>
      %dma_start3A_214 = arith.constant 0 : i32
      %dma_start3A_215 = arith.constant 0 : i32
      %dma_start3A_216 = tpu.memref_slice %arg7[%dma_start3A_214, %dma_start3A_215] : memref<82x128xi32, #tpu.memory_space<vmem>> -> memref<80x128xi32, #tpu.memory_space<vmem>>
      %dma_start3A_217 = arith.constant 0 : i32
      %dma_start3A_218 = tpu.memref_slice %arg3[%mul3A_4, %dma_start3A_217] : memref<2560x128xi32, #tpu.memory_space<hbm>> -> memref<80x128xi32, #tpu.memory_space<hbm>>
      tpu.enqueue_dma source(%dma_start3A_218 : memref<80x128xi32, #tpu.memory_space<hbm>>) target(%dma_start3A_216 : memref<80x128xi32, #tpu.memory_space<vmem>>) target_semaphore(%run_scoped3A : memref<!tpu.dma_semaphore, #tpu.memory_space<semaphore_mem>>)
      %dma_wait3A_219 = arith.constant 0 : i32
      %dma_wait3A_220 = arith.constant 0 : i32
      %dma_wait3A_221 = tpu.memref_slice %arg7[%dma_wait3A_219, %dma_wait3A_220] : memref<82x128xi32, #tpu.memory_space<vmem>> -> memref<80x128xi32, #tpu.memory_space<vmem>>
      %dma_wait3A_222 = arith.constant 0 : i32
      %dma_wait3A_223 = tpu.memref_slice %arg3[%mul3A_4, %dma_wait3A_222] : memref<2560x128xi32, #tpu.memory_space<hbm>> -> memref<80x128xi32, #tpu.memory_space<hbm>>
      %dma_wait3A_224 = arith.constant 0 : i32
      %dma_wait3A_225 = arith.constant 0 : i32
      %dma_wait3A_226 = tpu.memref_slice %arg7[%dma_wait3A_224, %dma_wait3A_225] : memref<82x128xi32, #tpu.memory_space<vmem>> -> memref<80x128xi32, #tpu.memory_space<vmem>>
      %dma_wait3A_227 = arith.constant 0 : i32
      %dma_wait3A_228 = tpu.memref_slice %arg3[%mul3A_4, %dma_wait3A_227] : memref<2560x128xi32, #tpu.memory_space<hbm>> -> memref<80x128xi32, #tpu.memory_space<hbm>>
      tpu.wait_dma2 semaphore(%run_scoped3A : memref<!tpu.dma_semaphore, #tpu.memory_space<semaphore_mem>>) src(%dma_wait3A_228 : memref<80x128xi32, #tpu.memory_space<hbm>>) dst(%dma_wait3A_226 : memref<80x128xi32, #tpu.memory_space<vmem>>)
      tpu.yield
    }) : () -> ()
    %dma_start3A = arith.constant 0 : i32
    %dma_start3A_5 = arith.constant 0 : i32
    %dma_start3A_6 = arith.constant 0 : i32
    %dma_start3A_7 = arith.constant 0 : i32
    %dma_start3A_8 = tpu.memref_slice %arg9[%dma_start3A_5, %dma_start3A_6, %dma_start3A_7] : memref<4x128x64xf32, #tpu.memory_space<vmem>> -> memref<1x128x64xf32, #tpu.memory_space<vmem>>
    %dma_start3A_9 = tpu.memref_squeeze %dma_start3A_8 : memref<1x128x64xf32, #tpu.memory_space<vmem>> -> memref<128x64xf32, #tpu.memory_space<vmem>>
    %dma_start3A_10 = arith.constant 0 : i32
    %dma_start3A_11 = tpu.memref_slice %arg7[%dma_start3A, %dma_start3A_10] : memref<82x128xi32, #tpu.memory_space<vmem>> -> memref<1x128xi32, #tpu.memory_space<vmem>>
    %dma_start3A_12 = tpu.memref_squeeze %dma_start3A_11 : memref<1x128xi32, #tpu.memory_space<vmem>> -> memref<128xi32, #tpu.memory_space<vmem>>
    %dma_start3A_13 = arith.constant 0 : i32
    %dma_start3A_14 = arith.constant 0 : i32
    %dma_start3A_15 = tpu.memref_slice %arg2[%dma_start3A_13, %dma_start3A_14] : memref<10240x64xf32, #tpu.memory_space<hbm>> -> memref<10240x64xf32, #tpu.memory_space<hbm>>
    tpu.enqueue_indirect_dma source(%dma_start3A_15 : memref<10240x64xf32, #tpu.memory_space<hbm>>) target(%dma_start3A_9 : memref<128x64xf32, #tpu.memory_space<vmem>>) offsets(%dma_start3A_12 : memref<128xi32, #tpu.memory_space<vmem>>) semaphore(%arg11 : memref<!tpu.dma_semaphore, #tpu.memory_space<semaphore_mem>>)
    %dma_start3A_16 = arith.constant 1 : i32
    %dma_start3A_17 = arith.constant 1 : i32
    %dma_start3A_18 = arith.constant 0 : i32
    %dma_start3A_19 = arith.constant 0 : i32
    %dma_start3A_20 = tpu.memref_slice %arg9[%dma_start3A_17, %dma_start3A_18, %dma_start3A_19] : memref<4x128x64xf32, #tpu.memory_space<vmem>> -> memref<1x128x64xf32, #tpu.memory_space<vmem>>
    %dma_start3A_21 = tpu.memref_squeeze %dma_start3A_20 : memref<1x128x64xf32, #tpu.memory_space<vmem>> -> memref<128x64xf32, #tpu.memory_space<vmem>>
    %dma_start3A_22 = arith.constant 0 : i32
    %dma_start3A_23 = tpu.memref_slice %arg7[%dma_start3A_16, %dma_start3A_22] : memref<82x128xi32, #tpu.memory_space<vmem>> -> memref<1x128xi32, #tpu.memory_space<vmem>>
    %dma_start3A_24 = tpu.memref_squeeze %dma_start3A_23 : memref<1x128xi32, #tpu.memory_space<vmem>> -> memref<128xi32, #tpu.memory_space<vmem>>
    %dma_start3A_25 = arith.constant 0 : i32
    %dma_start3A_26 = arith.constant 0 : i32
    %dma_start3A_27 = tpu.memref_slice %arg2[%dma_start3A_25, %dma_start3A_26] : memref<10240x64xf32, #tpu.memory_space<hbm>> -> memref<10240x64xf32, #tpu.memory_space<hbm>>
    tpu.enqueue_indirect_dma source(%dma_start3A_27 : memref<10240x64xf32, #tpu.memory_space<hbm>>) target(%dma_start3A_21 : memref<128x64xf32, #tpu.memory_space<vmem>>) offsets(%dma_start3A_24 : memref<128xi32, #tpu.memory_space<vmem>>) semaphore(%arg12 : memref<!tpu.dma_semaphore, #tpu.memory_space<semaphore_mem>>)
    %broadcast_in_dim3A = arith.constant 0 : i32
    %broadcast_in_dim3A_28 = vector.broadcast %broadcast_in_dim3A : i32 to vector<16xi32>
    %swap3A = arith.constant 80 : i32
    %swap3A_29 = arith.index_cast %swap3A : i32 to index
    %swap3A_30 = arith.constant 0 : index
    %swap3A_31 = tpu.vector_load %arg7[%swap3A_29, %swap3A_30] {strides = array<i32>} : memref<82x128xi32, #tpu.memory_space<vmem>>, vector<1x16xi32>,
    %swap3A_32 = vector.shape_cast %swap3A_31 : vector<1x16xi32> to vector<16xi32>
    %swap3A_33 = vector.shape_cast %broadcast_in_dim3A_28 : vector<16xi32> to vector<1x16xi32>
    tpu.vector_store %arg7[%swap3A_29, %swap3A_30], %swap3A_33 {strides = array<i32>} : memref<82x128xi32, #tpu.memory_space<vmem>>, vector<1x16xi32>,
    %broadcast_in_dim3A_34 = arith.constant 0 : i32
    %broadcast_in_dim3A_35 = vector.broadcast %broadcast_in_dim3A_34 : i32 to vector<16xi32>
    %swap3A_36 = arith.constant 80 : i32
    %swap3A_37 = arith.index_cast %swap3A_36 : i32 to index
    %swap3A_38 = arith.constant 16 : index
    %swap3A_39 = tpu.vector_load %arg7[%swap3A_37, %swap3A_38] {strides = array<i32>} : memref<82x128xi32, #tpu.memory_space<vmem>>, vector<1x16xi32>,
    %swap3A_40 = vector.shape_cast %swap3A_39 : vector<1x16xi32> to vector<16xi32>
    %swap3A_41 = vector.shape_cast %broadcast_in_dim3A_35 : vector<16xi32> to vector<1x16xi32>
    tpu.vector_store %arg7[%swap3A_37, %swap3A_38], %swap3A_41 {strides = array<i32>} : memref<82x128xi32, #tpu.memory_space<vmem>>, vector<1x16xi32>,
    %broadcast_in_dim3A_42 = arith.constant 0 : i32
    %broadcast_in_dim3A_43 = vector.broadcast %broadcast_in_dim3A_42 : i32 to vector<16xi32>
    %swap3A_44 = arith.constant 80 : i32
    %swap3A_45 = arith.index_cast %swap3A_44 : i32 to index
    %swap3A_46 = arith.constant 32 : index
    %swap3A_47 = tpu.vector_load %arg7[%swap3A_45, %swap3A_46] {strides = array<i32>} : memref<82x128xi32, #tpu.memory_space<vmem>>, vector<1x16xi32>,
    %swap3A_48 = vector.shape_cast %swap3A_47 : vector<1x16xi32> to vector<16xi32>
    %swap3A_49 = vector.shape_cast %broadcast_in_dim3A_43 : vector<16xi32> to vector<1x16xi32>
    tpu.vector_store %arg7[%swap3A_45, %swap3A_46], %swap3A_49 {strides = array<i32>} : memref<82x128xi32, #tpu.memory_space<vmem>>, vector<1x16xi32>,
    %broadcast_in_dim3A_50 = arith.constant 0 : i32
    %broadcast_in_dim3A_51 = vector.broadcast %broadcast_in_dim3A_50 : i32 to vector<16xi32>
    %swap3A_52 = arith.constant 80 : i32
    %swap3A_53 = arith.index_cast %swap3A_52 : i32 to index
    %swap3A_54 = arith.constant 48 : index
    %swap3A_55 = tpu.vector_load %arg7[%swap3A_53, %swap3A_54] {strides = array<i32>} : memref<82x128xi32, #tpu.memory_space<vmem>>, vector<1x16xi32>,
    %swap3A_56 = vector.shape_cast %swap3A_55 : vector<1x16xi32> to vector<16xi32>
    %swap3A_57 = vector.shape_cast %broadcast_in_dim3A_51 : vector<16xi32> to vector<1x16xi32>
    tpu.vector_store %arg7[%swap3A_53, %swap3A_54], %swap3A_57 {strides = array<i32>} : memref<82x128xi32, #tpu.memory_space<vmem>>, vector<1x16xi32>,
    %broadcast_in_dim3A_58 = arith.constant 0 : i32
    %broadcast_in_dim3A_59 = vector.broadcast %broadcast_in_dim3A_58 : i32 to vector<16xi32>
    %swap3A_60 = arith.constant 80 : i32
    %swap3A_61 = arith.index_cast %swap3A_60 : i32 to index
    %swap3A_62 = arith.constant 64 : index
    %swap3A_63 = tpu.vector_load %arg7[%swap3A_61, %swap3A_62] {strides = array<i32>} : memref<82x128xi32, #tpu.memory_space<vmem>>, vector<1x16xi32>,
    %swap3A_64 = vector.shape_cast %swap3A_63 : vector<1x16xi32> to vector<16xi32>
    %swap3A_65 = vector.shape_cast %broadcast_in_dim3A_59 : vector<16xi32> to vector<1x16xi32>
    tpu.vector_store %arg7[%swap3A_61, %swap3A_62], %swap3A_65 {strides = array<i32>} : memref<82x128xi32, #tpu.memory_space<vmem>>, vector<1x16xi32>,
    %broadcast_in_dim3A_66 = arith.constant 0 : i32
    %broadcast_in_dim3A_67 = vector.broadcast %broadcast_in_dim3A_66 : i32 to vector<16xi32>
    %swap3A_68 = arith.constant 80 : i32
    %swap3A_69 = arith.index_cast %swap3A_68 : i32 to index
    %swap3A_70 = arith.constant 80 : index
    %swap3A_71 = tpu.vector_load %arg7[%swap3A_69, %swap3A_70] {strides = array<i32>} : memref<82x128xi32, #tpu.memory_space<vmem>>, vector<1x16xi32>,
    %swap3A_72 = vector.shape_cast %swap3A_71 : vector<1x16xi32> to vector<16xi32>
    %swap3A_73 = vector.shape_cast %broadcast_in_dim3A_67 : vector<16xi32> to vector<1x16xi32>
    tpu.vector_store %arg7[%swap3A_69, %swap3A_70], %swap3A_73 {strides = array<i32>} : memref<82x128xi32, #tpu.memory_space<vmem>>, vector<1x16xi32>,
    %broadcast_in_dim3A_74 = arith.constant 0 : i32
    %broadcast_in_dim3A_75 = vector.broadcast %broadcast_in_dim3A_74 : i32 to vector<16xi32>
    %swap3A_76 = arith.constant 80 : i32
    %swap3A_77 = arith.index_cast %swap3A_76 : i32 to index
    %swap3A_78 = arith.constant 96 : index
    %swap3A_79 = tpu.vector_load %arg7[%swap3A_77, %swap3A_78] {strides = array<i32>} : memref<82x128xi32, #tpu.memory_space<vmem>>, vector<1x16xi32>,
    %swap3A_80 = vector.shape_cast %swap3A_79 : vector<1x16xi32> to vector<16xi32>
    %swap3A_81 = vector.shape_cast %broadcast_in_dim3A_75 : vector<16xi32> to vector<1x16xi32>
    tpu.vector_store %arg7[%swap3A_77, %swap3A_78], %swap3A_81 {strides = array<i32>} : memref<82x128xi32, #tpu.memory_space<vmem>>, vector<1x16xi32>,
    %broadcast_in_dim3A_82 = arith.constant 0 : i32
    %broadcast_in_dim3A_83 = vector.broadcast %broadcast_in_dim3A_82 : i32 to vector<16xi32>
    %swap3A_84 = arith.constant 80 : i32
    %swap3A_85 = arith.index_cast %swap3A_84 : i32 to index
    %swap3A_86 = arith.constant 112 : index
    %swap3A_87 = tpu.vector_load %arg7[%swap3A_85, %swap3A_86] {strides = array<i32>} : memref<82x128xi32, #tpu.memory_space<vmem>>, vector<1x16xi32>,
    %swap3A_88 = vector.shape_cast %swap3A_87 : vector<1x16xi32> to vector<16xi32>
    %swap3A_89 = vector.shape_cast %broadcast_in_dim3A_83 : vector<16xi32> to vector<1x16xi32>
    tpu.vector_store %arg7[%swap3A_85, %swap3A_86], %swap3A_89 {strides = array<i32>} : memref<82x128xi32, #tpu.memory_space<vmem>>, vector<1x16xi32>,
    %broadcast_in_dim3A_90 = arith.constant 0 : i32
    %broadcast_in_dim3A_91 = vector.broadcast %broadcast_in_dim3A_90 : i32 to vector<16xi32>
    %swap3A_92 = arith.constant 81 : i32
    %swap3A_93 = arith.index_cast %swap3A_92 : i32 to index
    %swap3A_94 = arith.constant 0 : index
    %swap3A_95 = tpu.vector_load %arg7[%swap3A_93, %swap3A_94] {strides = array<i32>} : memref<82x128xi32, #tpu.memory_space<vmem>>, vector<1x16xi32>,
    %swap3A_96 = vector.shape_cast %swap3A_95 : vector<1x16xi32> to vector<16xi32>
    %swap3A_97 = vector.shape_cast %broadcast_in_dim3A_91 : vector<16xi32> to vector<1x16xi32>
    tpu.vector_store %arg7[%swap3A_93, %swap3A_94], %swap3A_97 {strides = array<i32>} : memref<82x128xi32, #tpu.memory_space<vmem>>, vector<1x16xi32>,
    %broadcast_in_dim3A_98 = arith.constant 0 : i32
    %broadcast_in_dim3A_99 = vector.broadcast %broadcast_in_dim3A_98 : i32 to vector<16xi32>
    %swap3A_100 = arith.constant 81 : i32
    %swap3A_101 = arith.index_cast %swap3A_100 : i32 to index
    %swap3A_102 = arith.constant 16 : index
    %swap3A_103 = tpu.vector_load %arg7[%swap3A_101, %swap3A_102] {strides = array<i32>} : memref<82x128xi32, #tpu.memory_space<vmem>>, vector<1x16xi32>,
    %swap3A_104 = vector.shape_cast %swap3A_103 : vector<1x16xi32> to vector<16xi32>
    %swap3A_105 = vector.shape_cast %broadcast_in_dim3A_99 : vector<16xi32> to vector<1x16xi32>
    tpu.vector_store %arg7[%swap3A_101, %swap3A_102], %swap3A_105 {strides = array<i32>} : memref<82x128xi32, #tpu.memory_space<vmem>>, vector<1x16xi32>,
    %broadcast_in_dim3A_106 = arith.constant 0 : i32
    %broadcast_in_dim3A_107 = vector.broadcast %broadcast_in_dim3A_106 : i32 to vector<16xi32>
    %swap3A_108 = arith.constant 81 : i32
    %swap3A_109 = arith.index_cast %swap3A_108 : i32 to index
    %swap3A_110 = arith.constant 32 : index
    %swap3A_111 = tpu.vector_load %arg7[%swap3A_109, %swap3A_110] {strides = array<i32>} : memref<82x128xi32, #tpu.memory_space<vmem>>, vector<1x16xi32>,
    %swap3A_112 = vector.shape_cast %swap3A_111 : vector<1x16xi32> to vector<16xi32>
    %swap3A_113 = vector.shape_cast %broadcast_in_dim3A_107 : vector<16xi32> to vector<1x16xi32>
    tpu.vector_store %arg7[%swap3A_109, %swap3A_110], %swap3A_113 {strides = array<i32>} : memref<82x128xi32, #tpu.memory_space<vmem>>, vector<1x16xi32>,
    %broadcast_in_dim3A_114 = arith.constant 0 : i32
    %broadcast_in_dim3A_115 = vector.broadcast %broadcast_in_dim3A_114 : i32 to vector<16xi32>
    %swap3A_116 = arith.constant 81 : i32
    %swap3A_117 = arith.index_cast %swap3A_116 : i32 to index
    %swap3A_118 = arith.constant 48 : index
    %swap3A_119 = tpu.vector_load %arg7[%swap3A_117, %swap3A_118] {strides = array<i32>} : memref<82x128xi32, #tpu.memory_space<vmem>>, vector<1x16xi32>,
    %swap3A_120 = vector.shape_cast %swap3A_119 : vector<1x16xi32> to vector<16xi32>
    %swap3A_121 = vector.shape_cast %broadcast_in_dim3A_115 : vector<16xi32> to vector<1x16xi32>
    tpu.vector_store %arg7[%swap3A_117, %swap3A_118], %swap3A_121 {strides = array<i32>} : memref<82x128xi32, #tpu.memory_space<vmem>>, vector<1x16xi32>,
    %broadcast_in_dim3A_122 = arith.constant 0 : i32
    %broadcast_in_dim3A_123 = vector.broadcast %broadcast_in_dim3A_122 : i32 to vector<16xi32>
    %swap3A_124 = arith.constant 81 : i32
    %swap3A_125 = arith.index_cast %swap3A_124 : i32 to index
    %swap3A_126 = arith.constant 64 : index
    %swap3A_127 = tpu.vector_load %arg7[%swap3A_125, %swap3A_126] {strides = array<i32>} : memref<82x128xi32, #tpu.memory_space<vmem>>, vector<1x16xi32>,
    %swap3A_128 = vector.shape_cast %swap3A_127 : vector<1x16xi32> to vector<16xi32>
    %swap3A_129 = vector.shape_cast %broadcast_in_dim3A_123 : vector<16xi32> to vector<1x16xi32>
    tpu.vector_store %arg7[%swap3A_125, %swap3A_126], %swap3A_129 {strides = array<i32>} : memref<82x128xi32, #tpu.memory_space<vmem>>, vector<1x16xi32>,
    %broadcast_in_dim3A_130 = arith.constant 0 : i32
    %broadcast_in_dim3A_131 = vector.broadcast %broadcast_in_dim3A_130 : i32 to vector<16xi32>
    %swap3A_132 = arith.constant 81 : i32
    %swap3A_133 = arith.index_cast %swap3A_132 : i32 to index
    %swap3A_134 = arith.constant 80 : index
    %swap3A_135 = tpu.vector_load %arg7[%swap3A_133, %swap3A_134] {strides = array<i32>} : memref<82x128xi32, #tpu.memory_space<vmem>>, vector<1x16xi32>,
    %swap3A_136 = vector.shape_cast %swap3A_135 : vector<1x16xi32> to vector<16xi32>
    %swap3A_137 = vector.shape_cast %broadcast_in_dim3A_131 : vector<16xi32> to vector<1x16xi32>
    tpu.vector_store %arg7[%swap3A_133, %swap3A_134], %swap3A_137 {strides = array<i32>} : memref<82x128xi32, #tpu.memory_space<vmem>>, vector<1x16xi32>,
    %broadcast_in_dim3A_138 = arith.constant 0 : i32
    %broadcast_in_dim3A_139 = vector.broadcast %broadcast_in_dim3A_138 : i32 to vector<16xi32>
    %swap3A_140 = arith.constant 81 : i32
    %swap3A_141 = arith.index_cast %swap3A_140 : i32 to index
    %swap3A_142 = arith.constant 96 : index
    %swap3A_143 = tpu.vector_load %arg7[%swap3A_141, %swap3A_142] {strides = array<i32>} : memref<82x128xi32, #tpu.memory_space<vmem>>, vector<1x16xi32>,
    %swap3A_144 = vector.shape_cast %swap3A_143 : vector<1x16xi32> to vector<16xi32>
    %swap3A_145 = vector.shape_cast %broadcast_in_dim3A_139 : vector<16xi32> to vector<1x16xi32>
    tpu.vector_store %arg7[%swap3A_141, %swap3A_142], %swap3A_145 {strides = array<i32>} : memref<82x128xi32, #tpu.memory_space<vmem>>, vector<1x16xi32>,
    %broadcast_in_dim3A_146 = arith.constant 0 : i32
    %broadcast_in_dim3A_147 = vector.broadcast %broadcast_in_dim3A_146 : i32 to vector<16xi32>
    %swap3A_148 = arith.constant 81 : i32
    %swap3A_149 = arith.index_cast %swap3A_148 : i32 to index
    %swap3A_150 = arith.constant 112 : index
    %swap3A_151 = tpu.vector_load %arg7[%swap3A_149, %swap3A_150] {strides = array<i32>} : memref<82x128xi32, #tpu.memory_space<vmem>>, vector<1x16xi32>,
    %swap3A_152 = vector.shape_cast %swap3A_151 : vector<1x16xi32> to vector<16xi32>
    %swap3A_153 = vector.shape_cast %broadcast_in_dim3A_147 : vector<16xi32> to vector<1x16xi32>
    tpu.vector_store %arg7[%swap3A_149, %swap3A_150], %swap3A_153 {strides = array<i32>} : memref<82x128xi32, #tpu.memory_space<vmem>>, vector<1x16xi32>,
    %mul3A_154 = arith.constant 80 : i32
    %mul3A_155 = arith.muli %add3A, %mul3A_154 : i32
    "tpu.region"() ({
      %run_scoped3A = tpu.sem_alloc : memref<!tpu.dma_semaphore, #tpu.memory_space<semaphore_mem>>
      %dma_start3A_209 = arith.constant 0 : i32
      %dma_start3A_210 = tpu.memref_slice %arg4[%mul3A_155, %dma_start3A_209] : memref<2560x128xi32, #tpu.memory_space<hbm>> -> memref<80x128xi32, #tpu.memory_space<hbm>>
      %dma_start3A_211 = arith.constant 0 : i32
      %dma_start3A_212 = tpu.memref_slice %arg4[%mul3A_155, %dma_start3A_211] : memref<2560x128xi32, #tpu.memory_space<hbm>> -> memref<80x128xi32, #tpu.memory_space<hbm>>
      tpu.enqueue_dma source(%dma_start3A_212 : memref<80x128xi32, #tpu.memory_space<hbm>>) target(%arg8 : memref<80x128xi32, #tpu.memory_space<vmem>>) target_semaphore(%run_scoped3A : memref<!tpu.dma_semaphore, #tpu.memory_space<semaphore_mem>>)
      %dma_wait3A_213 = arith.constant 0 : i32
      %dma_wait3A_214 = tpu.memref_slice %arg4[%mul3A_155, %dma_wait3A_213] : memref<2560x128xi32, #tpu.memory_space<hbm>> -> memref<80x128xi32, #tpu.memory_space<hbm>>
      %dma_wait3A_215 = arith.constant 0 : i32
      %dma_wait3A_216 = tpu.memref_slice %arg4[%mul3A_155, %dma_wait3A_215] : memref<2560x128xi32, #tpu.memory_space<hbm>> -> memref<80x128xi32, #tpu.memory_space<hbm>>
      tpu.wait_dma2 semaphore(%run_scoped3A : memref<!tpu.dma_semaphore, #tpu.memory_space<semaphore_mem>>) src(%dma_wait3A_216 : memref<80x128xi32, #tpu.memory_space<hbm>>) dst(%arg8 : memref<80x128xi32, #tpu.memory_space<vmem>>)
      tpu.yield
    }) : () -> ()
    "tpu.region"() ({
      %run_scoped3A = tpu.sem_alloc : memref<!tpu.dma_semaphore, #tpu.memory_space<semaphore_mem>>
      %dma_start3A_209 = arith.constant 0 : i32
      %dma_start3A_210 = tpu.memref_slice %arg10[%mul3A_2, %dma_start3A_209] : memref<10240x64xf32, #tpu.memory_space<vmem_shared>> -> memref<640x64xf32, #tpu.memory_space<vmem_shared>>
      %dma_start3A_211 = arith.constant 0 : i32
      %dma_start3A_212 = tpu.memref_slice %arg5[%mul3A_2, %dma_start3A_211] : memref<10240x64xf32, #tpu.memory_space<hbm>> -> memref<640x64xf32, #tpu.memory_space<hbm>>
      tpu.enqueue_dma source(%dma_start3A_212 : memref<640x64xf32, #tpu.memory_space<hbm>>) target(%dma_start3A_210 : memref<640x64xf32, #tpu.memory_space<vmem_shared>>) target_semaphore(%run_scoped3A : memref<!tpu.dma_semaphore, #tpu.memory_space<semaphore_mem>>)
      %dma_wait3A_213 = arith.constant 0 : i32
      %dma_wait3A_214 = tpu.memref_slice %arg10[%mul3A_2, %dma_wait3A_213] : memref<10240x64xf32, #tpu.memory_space<vmem_shared>> -> memref<640x64xf32, #tpu.memory_space<vmem_shared>>
      %dma_wait3A_215 = arith.constant 0 : i32
      %dma_wait3A_216 = tpu.memref_slice %arg5[%mul3A_2, %dma_wait3A_215] : memref<10240x64xf32, #tpu.memory_space<hbm>> -> memref<640x64xf32, #tpu.memory_space<hbm>>
      tpu.wait_dma2 semaphore(%run_scoped3A : memref<!tpu.dma_semaphore, #tpu.memory_space<semaphore_mem>>) src(%dma_wait3A_216 : memref<640x64xf32, #tpu.memory_space<hbm>>) dst(%dma_wait3A_214 : memref<640x64xf32, #tpu.memory_space<vmem_shared>>)
      tpu.yield
    }) : () -> ()
    %barrier3A = arith.constant 0 : index
    tpu.barrier barrier_id(%barrier3A)
    %scan3A = arith.constant 0 : i32
    %scan3A_156 = arith.constant 0 : i32
    %scan3A_157 = arith.constant 20 : i32
    %scan3A_158 = arith.addi %scan3A_156, %scan3A_157 : i32
    %scan3A_159 = arith.constant 1 : i32
    scf.for %scan3A_209 = %scan3A_156 to %scan3A_158 step %scan3A_159  : i32 {
      %mul3A_210 = arith.constant 4 : i32
      %mul3A_211 = arith.muli %scan3A_209, %mul3A_210 : i32
      %add3A_212 = arith.constant 0 : i32
      %add3A_213 = arith.addi %mul3A_211, %add3A_212 : i32
      %dma_wait3A_214 = arith.constant 0 : i32
      %dma_wait3A_215 = arith.constant 0 : i32
      %dma_wait3A_216 = arith.constant 0 : i32
      %dma_wait3A_217 = arith.constant 0 : i32
      %dma_wait3A_218 = tpu.memref_slice %arg9[%dma_wait3A_215, %dma_wait3A_216, %dma_wait3A_217] : memref<4x128x64xf32, #tpu.memory_space<vmem>> -> memref<1x128x64xf32, #tpu.memory_space<vmem>>
      %dma_wait3A_219 = tpu.memref_squeeze %dma_wait3A_218 : memref<1x128x64xf32, #tpu.memory_space<vmem>> -> memref<128x64xf32, #tpu.memory_space<vmem>>
      %dma_wait3A_220 = arith.constant 0 : i32
      %dma_wait3A_221 = tpu.memref_slice %arg7[%dma_wait3A_214, %dma_wait3A_220] : memref<82x128xi32, #tpu.memory_space<vmem>> -> memref<1x128xi32, #tpu.memory_space<vmem>>
      %dma_wait3A_222 = tpu.memref_squeeze %dma_wait3A_221 : memref<1x128xi32, #tpu.memory_space<vmem>> -> memref<128xi32, #tpu.memory_space<vmem>>
      %dma_wait3A_223 = arith.constant 0 : i32
      %dma_wait3A_224 = arith.constant 0 : i32
      %dma_wait3A_225 = tpu.memref_slice %arg2[%dma_wait3A_223, %dma_wait3A_224] : memref<10240x64xf32, #tpu.memory_space<hbm>> -> memref<10240x64xf32, #tpu.memory_space<hbm>>
      tpu.wait_indirect_dma semaphore(%arg11 : memref<!tpu.dma_semaphore, #tpu.memory_space<semaphore_mem>>) src(%dma_wait3A_225 : memref<10240x64xf32, #tpu.memory_space<hbm>>) dst(%dma_wait3A_219 : memref<128x64xf32, #tpu.memory_space<vmem>>)
      %dma_start3A_226 = arith.constant 0 : i32
      %dma_start3A_227 = arith.constant 0 : i32
      %dma_start3A_228 = arith.constant 0 : i32
      %dma_start3A_229 = tpu.memref_slice %arg9[%dma_start3A_226, %dma_start3A_227, %dma_start3A_228] : memref<4x128x64xf32, #tpu.memory_space<vmem>> -> memref<1x128x64xf32, #tpu.memory_space<vmem>>
      %dma_start3A_230 = tpu.memref_squeeze %dma_start3A_229 : memref<1x128x64xf32, #tpu.memory_space<vmem>> -> memref<128x64xf32, #tpu.memory_space<vmem>>
      %dma_start3A_231 = arith.constant 0 : i32
      %dma_start3A_232 = tpu.memref_slice %arg8[%add3A_213, %dma_start3A_231] : memref<80x128xi32, #tpu.memory_space<vmem>> -> memref<1x128xi32, #tpu.memory_space<vmem>>
      %dma_start3A_233 = tpu.memref_squeeze %dma_start3A_232 : memref<1x128xi32, #tpu.memory_space<vmem>> -> memref<128xi32, #tpu.memory_space<vmem>>
      %dma_start3A_234 = arith.constant 0 : i32
      %dma_start3A_235 = arith.constant 0 : i32
      %dma_start3A_236 = tpu.memref_slice %arg10[%dma_start3A_234, %dma_start3A_235] : memref<10240x64xf32, #tpu.memory_space<vmem_shared>> -> memref<10240x64xf32, #tpu.memory_space<vmem_shared>>
      tpu.enqueue_indirect_dma source(%dma_start3A_230 : memref<128x64xf32, #tpu.memory_space<vmem>>) target(%dma_start3A_236 : memref<10240x64xf32, #tpu.memory_space<vmem_shared>>) offsets(%dma_start3A_233 : memref<128xi32, #tpu.memory_space<vmem>>) semaphore(%arg15 : memref<!tpu.dma_semaphore, #tpu.memory_space<semaphore_mem>>) {add = true}
      %gt3A = arith.constant 0 : i32
      %gt3A_237 = arith.cmpi sgt, %scan3A_209, %gt3A : i32
      %or3A = arith.constant false
      %or3A_238 = arith.ori %gt3A_237, %or3A : i1
      %convert_element_type3A = arith.extui %or3A_238 : i1 to i32
      %cond3A = arith.constant 0 : i32
      %cond3A_239 = arith.cmpi ne, %convert_element_type3A, %cond3A : i32
      scf.if %cond3A_239 {
        %dma_wait3A_394 = arith.constant 2 : i32
        %dma_wait3A_395 = arith.constant 0 : i32
        %dma_wait3A_396 = arith.constant 0 : i32
        %dma_wait3A_397 = arith.constant 0 : i32
        %dma_wait3A_398 = tpu.memref_slice %arg9[%dma_wait3A_394, %dma_wait3A_396, %dma_wait3A_397] : memref<4x128x64xf32, #tpu.memory_space<vmem>> -> memref<1x128x64xf32, #tpu.memory_space<vmem>>
        %dma_wait3A_399 = tpu.memref_squeeze %dma_wait3A_398 : memref<1x128x64xf32, #tpu.memory_space<vmem>> -> memref<128x64xf32, #tpu.memory_space<vmem>>
        %dma_wait3A_400 = arith.constant 0 : i32
        %dma_wait3A_401 = tpu.memref_slice %arg8[%dma_wait3A_395, %dma_wait3A_400] : memref<80x128xi32, #tpu.memory_space<vmem>> -> memref<1x128xi32, #tpu.memory_space<vmem>>
        %dma_wait3A_402 = tpu.memref_squeeze %dma_wait3A_401 : memref<1x128xi32, #tpu.memory_space<vmem>> -> memref<128xi32, #tpu.memory_space<vmem>>
        %dma_wait3A_403 = arith.constant 0 : i32
        %dma_wait3A_404 = arith.constant 0 : i32
        %dma_wait3A_405 = tpu.memref_slice %arg10[%dma_wait3A_403, %dma_wait3A_404] : memref<10240x64xf32, #tpu.memory_space<vmem_shared>> -> memref<10240x64xf32, #tpu.memory_space<vmem_shared>>
        tpu.wait_indirect_dma semaphore(%arg17 : memref<!tpu.dma_semaphore, #tpu.memory_space<semaphore_mem>>) src(%dma_wait3A_399 : memref<128x64xf32, #tpu.memory_space<vmem>>) dst(%dma_wait3A_405 : memref<10240x64xf32, #tpu.memory_space<vmem_shared>>)
      } else {
      }
      %add3A_240 = arith.constant 2 : i32
      %add3A_241 = arith.addi %add3A_213, %add3A_240 : i32
      %dma_start3A_242 = arith.constant 2 : i32
      %dma_start3A_243 = arith.constant 0 : i32
      %dma_start3A_244 = arith.constant 0 : i32
      %dma_start3A_245 = tpu.memref_slice %arg9[%dma_start3A_242, %dma_start3A_243, %dma_start3A_244] : memref<4x128x64xf32, #tpu.memory_space<vmem>> -> memref<1x128x64xf32, #tpu.memory_space<vmem>>
      %dma_start3A_246 = tpu.memref_squeeze %dma_start3A_245 : memref<1x128x64xf32, #tpu.memory_space<vmem>> -> memref<128x64xf32, #tpu.memory_space<vmem>>
      %dma_start3A_247 = arith.constant 0 : i32
      %dma_start3A_248 = tpu.memref_slice %arg7[%add3A_241, %dma_start3A_247] : memref<82x128xi32, #tpu.memory_space<vmem>> -> memref<1x128xi32, #tpu.memory_space<vmem>>
      %dma_start3A_249 = tpu.memref_squeeze %dma_start3A_248 : memref<1x128xi32, #tpu.memory_space<vmem>> -> memref<128xi32, #tpu.memory_space<vmem>>
      %dma_start3A_250 = arith.constant 0 : i32
      %dma_start3A_251 = arith.constant 0 : i32
      %dma_start3A_252 = tpu.memref_slice %arg2[%dma_start3A_250, %dma_start3A_251] : memref<10240x64xf32, #tpu.memory_space<hbm>> -> memref<10240x64xf32, #tpu.memory_space<hbm>>
      tpu.enqueue_indirect_dma source(%dma_start3A_252 : memref<10240x64xf32, #tpu.memory_space<hbm>>) target(%dma_start3A_246 : memref<128x64xf32, #tpu.memory_space<vmem>>) offsets(%dma_start3A_249 : memref<128xi32, #tpu.memory_space<vmem>>) semaphore(%arg13 : memref<!tpu.dma_semaphore, #tpu.memory_space<semaphore_mem>>)
      %mul3A_253 = arith.constant 4 : i32
      %mul3A_254 = arith.muli %scan3A_209, %mul3A_253 : i32
      %add3A_255 = arith.constant 1 : i32
      %add3A_256 = arith.addi %mul3A_254, %add3A_255 : i32
      %dma_wait3A_257 = arith.constant 0 : i32
      %dma_wait3A_258 = arith.constant 1 : i32
      %dma_wait3A_259 = arith.constant 0 : i32
      %dma_wait3A_260 = arith.constant 0 : i32
      %dma_wait3A_261 = tpu.memref_slice %arg9[%dma_wait3A_258, %dma_wait3A_259, %dma_wait3A_260] : memref<4x128x64xf32, #tpu.memory_space<vmem>> -> memref<1x128x64xf32, #tpu.memory_space<vmem>>
      %dma_wait3A_262 = tpu.memref_squeeze %dma_wait3A_261 : memref<1x128x64xf32, #tpu.memory_space<vmem>> -> memref<128x64xf32, #tpu.memory_space<vmem>>
      %dma_wait3A_263 = arith.constant 0 : i32
      %dma_wait3A_264 = tpu.memref_slice %arg7[%dma_wait3A_257, %dma_wait3A_263] : memref<82x128xi32, #tpu.memory_space<vmem>> -> memref<1x128xi32, #tpu.memory_space<vmem>>
      %dma_wait3A_265 = tpu.memref_squeeze %dma_wait3A_264 : memref<1x128xi32, #tpu.memory_space<vmem>> -> memref<128xi32, #tpu.memory_space<vmem>>
      %dma_wait3A_266 = arith.constant 0 : i32
      %dma_wait3A_267 = arith.constant 0 : i32
      %dma_wait3A_268 = tpu.memref_slice %arg2[%dma_wait3A_266, %dma_wait3A_267] : memref<10240x64xf32, #tpu.memory_space<hbm>> -> memref<10240x64xf32, #tpu.memory_space<hbm>>
      tpu.wait_indirect_dma semaphore(%arg12 : memref<!tpu.dma_semaphore, #tpu.memory_space<semaphore_mem>>) src(%dma_wait3A_268 : memref<10240x64xf32, #tpu.memory_space<hbm>>) dst(%dma_wait3A_262 : memref<128x64xf32, #tpu.memory_space<vmem>>)
      %dma_start3A_269 = arith.constant 1 : i32
      %dma_start3A_270 = arith.constant 0 : i32
      %dma_start3A_271 = arith.constant 0 : i32
      %dma_start3A_272 = tpu.memref_slice %arg9[%dma_start3A_269, %dma_start3A_270, %dma_start3A_271] : memref<4x128x64xf32, #tpu.memory_space<vmem>> -> memref<1x128x64xf32, #tpu.memory_space<vmem>>
      %dma_start3A_273 = tpu.memref_squeeze %dma_start3A_272 : memref<1x128x64xf32, #tpu.memory_space<vmem>> -> memref<128x64xf32, #tpu.memory_space<vmem>>
      %dma_start3A_274 = arith.constant 0 : i32
      %dma_start3A_275 = tpu.memref_slice %arg8[%add3A_256, %dma_start3A_274] : memref<80x128xi32, #tpu.memory_space<vmem>> -> memref<1x128xi32, #tpu.memory_space<vmem>>
      %dma_start3A_276 = tpu.memref_squeeze %dma_start3A_275 : memref<1x128xi32, #tpu.memory_space<vmem>> -> memref<128xi32, #tpu.memory_space<vmem>>
      %dma_start3A_277 = arith.constant 0 : i32
      %dma_start3A_278 = arith.constant 0 : i32
      %dma_start3A_279 = tpu.memref_slice %arg10[%dma_start3A_277, %dma_start3A_278] : memref<10240x64xf32, #tpu.memory_space<vmem_shared>> -> memref<10240x64xf32, #tpu.memory_space<vmem_shared>>
      tpu.enqueue_indirect_dma source(%dma_start3A_273 : memref<128x64xf32, #tpu.memory_space<vmem>>) target(%dma_start3A_279 : memref<10240x64xf32, #tpu.memory_space<vmem_shared>>) offsets(%dma_start3A_276 : memref<128xi32, #tpu.memory_space<vmem>>) semaphore(%arg16 : memref<!tpu.dma_semaphore, #tpu.memory_space<semaphore_mem>>) {add = true}
      %gt3A_280 = arith.constant 0 : i32
      %gt3A_281 = arith.cmpi sgt, %scan3A_209, %gt3A_280 : i32
      %or3A_282 = arith.constant false
      %or3A_283 = arith.ori %gt3A_281, %or3A_282 : i1
      %convert_element_type3A_284 = arith.extui %or3A_283 : i1 to i32
      %cond3A_285 = arith.constant 0 : i32
      %cond3A_286 = arith.cmpi ne, %convert_element_type3A_284, %cond3A_285 : i32
      scf.if %cond3A_286 {
        %dma_wait3A_394 = arith.constant 3 : i32
        %dma_wait3A_395 = arith.constant 0 : i32
        %dma_wait3A_396 = arith.constant 0 : i32
        %dma_wait3A_397 = arith.constant 0 : i32
        %dma_wait3A_398 = tpu.memref_slice %arg9[%dma_wait3A_394, %dma_wait3A_396, %dma_wait3A_397] : memref<4x128x64xf32, #tpu.memory_space<vmem>> -> memref<1x128x64xf32, #tpu.memory_space<vmem>>
        %dma_wait3A_399 = tpu.memref_squeeze %dma_wait3A_398 : memref<1x128x64xf32, #tpu.memory_space<vmem>> -> memref<128x64xf32, #tpu.memory_space<vmem>>
        %dma_wait3A_400 = arith.constant 0 : i32
        %dma_wait3A_401 = tpu.memref_slice %arg8[%dma_wait3A_395, %dma_wait3A_400] : memref<80x128xi32, #tpu.memory_space<vmem>> -> memref<1x128xi32, #tpu.memory_space<vmem>>
        %dma_wait3A_402 = tpu.memref_squeeze %dma_wait3A_401 : memref<1x128xi32, #tpu.memory_space<vmem>> -> memref<128xi32, #tpu.memory_space<vmem>>
        %dma_wait3A_403 = arith.constant 0 : i32
        %dma_wait3A_404 = arith.constant 0 : i32
        %dma_wait3A_405 = tpu.memref_slice %arg10[%dma_wait3A_403, %dma_wait3A_404] : memref<10240x64xf32, #tpu.memory_space<vmem_shared>> -> memref<10240x64xf32, #tpu.memory_space<vmem_shared>>
        tpu.wait_indirect_dma semaphore(%arg18 : memref<!tpu.dma_semaphore, #tpu.memory_space<semaphore_mem>>) src(%dma_wait3A_399 : memref<128x64xf32, #tpu.memory_space<vmem>>) dst(%dma_wait3A_405 : memref<10240x64xf32, #tpu.memory_space<vmem_shared>>)
      } else {
      }
      %add3A_287 = arith.constant 2 : i32
      %add3A_288 = arith.addi %add3A_256, %add3A_287 : i32
      %dma_start3A_289 = arith.constant 3 : i32
      %dma_start3A_290 = arith.constant 0 : i32
      %dma_start3A_291 = arith.constant 0 : i32
      %dma_start3A_292 = tpu.memref_slice %arg9[%dma_start3A_289, %dma_start3A_290, %dma_start3A_291] : memref<4x128x64xf32, #tpu.memory_space<vmem>> -> memref<1x128x64xf32, #tpu.memory_space<vmem>>
      %dma_start3A_293 = tpu.memref_squeeze %dma_start3A_292 : memref<1x128x64xf32, #tpu.memory_space<vmem>> -> memref<128x64xf32, #tpu.memory_space<vmem>>
      %dma_start3A_294 = arith.constant 0 : i32
      %dma_start3A_295 = tpu.memref_slice %arg7[%add3A_288, %dma_start3A_294] : memref<82x128xi32, #tpu.memory_space<vmem>> -> memref<1x128xi32, #tpu.memory_space<vmem>>
      %dma_start3A_296 = tpu.memref_squeeze %dma_start3A_295 : memref<1x128xi32, #tpu.memory_space<vmem>> -> memref<128xi32, #tpu.memory_space<vmem>>
      %dma_start3A_297 = arith.constant 0 : i32
      %dma_start3A_298 = arith.constant 0 : i32
      %dma_start3A_299 = tpu.memref_slice %arg2[%dma_start3A_297, %dma_start3A_298] : memref<10240x64xf32, #tpu.memory_space<hbm>> -> memref<10240x64xf32, #tpu.memory_space<hbm>>
      tpu.enqueue_indirect_dma source(%dma_start3A_299 : memref<10240x64xf32, #tpu.memory_space<hbm>>) target(%dma_start3A_293 : memref<128x64xf32, #tpu.memory_space<vmem>>) offsets(%dma_start3A_296 : memref<128xi32, #tpu.memory_space<vmem>>) semaphore(%arg14 : memref<!tpu.dma_semaphore, #tpu.memory_space<semaphore_mem>>)
      %mul3A_300 = arith.constant 4 : i32
      %mul3A_301 = arith.muli %scan3A_209, %mul3A_300 : i32
      %add3A_302 = arith.constant 2 : i32
      %add3A_303 = arith.addi %mul3A_301, %add3A_302 : i32
      %dma_wait3A_304 = arith.constant 0 : i32
      %dma_wait3A_305 = arith.constant 2 : i32
      %dma_wait3A_306 = arith.constant 0 : i32
      %dma_wait3A_307 = arith.constant 0 : i32
      %dma_wait3A_308 = tpu.memref_slice %arg9[%dma_wait3A_305, %dma_wait3A_306, %dma_wait3A_307] : memref<4x128x64xf32, #tpu.memory_space<vmem>> -> memref<1x128x64xf32, #tpu.memory_space<vmem>>
      %dma_wait3A_309 = tpu.memref_squeeze %dma_wait3A_308 : memref<1x128x64xf32, #tpu.memory_space<vmem>> -> memref<128x64xf32, #tpu.memory_space<vmem>>
      %dma_wait3A_310 = arith.constant 0 : i32
      %dma_wait3A_311 = tpu.memref_slice %arg7[%dma_wait3A_304, %dma_wait3A_310] : memref<82x128xi32, #tpu.memory_space<vmem>> -> memref<1x128xi32, #tpu.memory_space<vmem>>
      %dma_wait3A_312 = tpu.memref_squeeze %dma_wait3A_311 : memref<1x128xi32, #tpu.memory_space<vmem>> -> memref<128xi32, #tpu.memory_space<vmem>>
      %dma_wait3A_313 = arith.constant 0 : i32
      %dma_wait3A_314 = arith.constant 0 : i32
      %dma_wait3A_315 = tpu.memref_slice %arg2[%dma_wait3A_313, %dma_wait3A_314] : memref<10240x64xf32, #tpu.memory_space<hbm>> -> memref<10240x64xf32, #tpu.memory_space<hbm>>
      tpu.wait_indirect_dma semaphore(%arg13 : memref<!tpu.dma_semaphore, #tpu.memory_space<semaphore_mem>>) src(%dma_wait3A_315 : memref<10240x64xf32, #tpu.memory_space<hbm>>) dst(%dma_wait3A_309 : memref<128x64xf32, #tpu.memory_space<vmem>>)
      %dma_start3A_316 = arith.constant 2 : i32
      %dma_start3A_317 = arith.constant 0 : i32
      %dma_start3A_318 = arith.constant 0 : i32
      %dma_start3A_319 = tpu.memref_slice %arg9[%dma_start3A_316, %dma_start3A_317, %dma_start3A_318] : memref<4x128x64xf32, #tpu.memory_space<vmem>> -> memref<1x128x64xf32, #tpu.memory_space<vmem>>
      %dma_start3A_320 = tpu.memref_squeeze %dma_start3A_319 : memref<1x128x64xf32, #tpu.memory_space<vmem>> -> memref<128x64xf32, #tpu.memory_space<vmem>>
      %dma_start3A_321 = arith.constant 0 : i32
      %dma_start3A_322 = tpu.memref_slice %arg8[%add3A_303, %dma_start3A_321] : memref<80x128xi32, #tpu.memory_space<vmem>> -> memref<1x128xi32, #tpu.memory_space<vmem>>
      %dma_start3A_323 = tpu.memref_squeeze %dma_start3A_322 : memref<1x128xi32, #tpu.memory_space<vmem>> -> memref<128xi32, #tpu.memory_space<vmem>>
      %dma_start3A_324 = arith.constant 0 : i32
      %dma_start3A_325 = arith.constant 0 : i32
      %dma_start3A_326 = tpu.memref_slice %arg10[%dma_start3A_324, %dma_start3A_325] : memref<10240x64xf32, #tpu.memory_space<vmem_shared>> -> memref<10240x64xf32, #tpu.memory_space<vmem_shared>>
      tpu.enqueue_indirect_dma source(%dma_start3A_320 : memref<128x64xf32, #tpu.memory_space<vmem>>) target(%dma_start3A_326 : memref<10240x64xf32, #tpu.memory_space<vmem_shared>>) offsets(%dma_start3A_323 : memref<128xi32, #tpu.memory_space<vmem>>) semaphore(%arg17 : memref<!tpu.dma_semaphore, #tpu.memory_space<semaphore_mem>>) {add = true}
      %gt3A_327 = arith.constant 0 : i32
      %gt3A_328 = arith.cmpi sgt, %scan3A_209, %gt3A_327 : i32
      %or3A_329 = arith.constant true
      %or3A_330 = arith.ori %gt3A_328, %or3A_329 : i1
      %convert_element_type3A_331 = arith.extui %or3A_330 : i1 to i32
      %cond3A_332 = arith.constant 0 : i32
      %cond3A_333 = arith.cmpi ne, %convert_element_type3A_331, %cond3A_332 : i32
      scf.if %cond3A_333 {
        %dma_wait3A_394 = arith.constant 0 : i32
        %dma_wait3A_395 = arith.constant 0 : i32
        %dma_wait3A_396 = arith.constant 0 : i32
        %dma_wait3A_397 = arith.constant 0 : i32
        %dma_wait3A_398 = tpu.memref_slice %arg9[%dma_wait3A_394, %dma_wait3A_396, %dma_wait3A_397] : memref<4x128x64xf32, #tpu.memory_space<vmem>> -> memref<1x128x64xf32, #tpu.memory_space<vmem>>
        %dma_wait3A_399 = tpu.memref_squeeze %dma_wait3A_398 : memref<1x128x64xf32, #tpu.memory_space<vmem>> -> memref<128x64xf32, #tpu.memory_space<vmem>>
        %dma_wait3A_400 = arith.constant 0 : i32
        %dma_wait3A_401 = tpu.memref_slice %arg8[%dma_wait3A_395, %dma_wait3A_400] : memref<80x128xi32, #tpu.memory_space<vmem>> -> memref<1x128xi32, #tpu.memory_space<vmem>>
        %dma_wait3A_402 = tpu.memref_squeeze %dma_wait3A_401 : memref<1x128xi32, #tpu.memory_space<vmem>> -> memref<128xi32, #tpu.memory_space<vmem>>
        %dma_wait3A_403 = arith.constant 0 : i32
        %dma_wait3A_404 = arith.constant 0 : i32
        %dma_wait3A_405 = tpu.memref_slice %arg10[%dma_wait3A_403, %dma_wait3A_404] : memref<10240x64xf32, #tpu.memory_space<vmem_shared>> -> memref<10240x64xf32, #tpu.memory_space<vmem_shared>>
        tpu.wait_indirect_dma semaphore(%arg15 : memref<!tpu.dma_semaphore, #tpu.memory_space<semaphore_mem>>) src(%dma_wait3A_399 : memref<128x64xf32, #tpu.memory_space<vmem>>) dst(%dma_wait3A_405 : memref<10240x64xf32, #tpu.memory_space<vmem_shared>>)
      } else {
      }
      %add3A_334 = arith.constant 2 : i32
      %add3A_335 = arith.addi %add3A_303, %add3A_334 : i32
      %dma_start3A_336 = arith.constant 0 : i32
      %dma_start3A_337 = arith.constant 0 : i32
      %dma_start3A_338 = arith.constant 0 : i32
      %dma_start3A_339 = tpu.memref_slice %arg9[%dma_start3A_336, %dma_start3A_337, %dma_start3A_338] : memref<4x128x64xf32, #tpu.memory_space<vmem>> -> memref<1x128x64xf32, #tpu.memory_space<vmem>>
      %dma_start3A_340 = tpu.memref_squeeze %dma_start3A_339 : memref<1x128x64xf32, #tpu.memory_space<vmem>> -> memref<128x64xf32, #tpu.memory_space<vmem>>
      %dma_start3A_341 = arith.constant 0 : i32
      %dma_start3A_342 = tpu.memref_slice %arg7[%add3A_335, %dma_start3A_341] : memref<82x128xi32, #tpu.memory_space<vmem>> -> memref<1x128xi32, #tpu.memory_space<vmem>>
      %dma_start3A_343 = tpu.memref_squeeze %dma_start3A_342 : memref<1x128xi32, #tpu.memory_space<vmem>> -> memref<128xi32, #tpu.memory_space<vmem>>
      %dma_start3A_344 = arith.constant 0 : i32
      %dma_start3A_345 = arith.constant 0 : i32
      %dma_start3A_346 = tpu.memref_slice %arg2[%dma_start3A_344, %dma_start3A_345] : memref<10240x64xf32, #tpu.memory_space<hbm>> -> memref<10240x64xf32, #tpu.memory_space<hbm>>
      tpu.enqueue_indirect_dma source(%dma_start3A_346 : memref<10240x64xf32, #tpu.memory_space<hbm>>) target(%dma_start3A_340 : memref<128x64xf32, #tpu.memory_space<vmem>>) offsets(%dma_start3A_343 : memref<128xi32, #tpu.memory_space<vmem>>) semaphore(%arg11 : memref<!tpu.dma_semaphore, #tpu.memory_space<semaphore_mem>>)
      %mul3A_347 = arith.constant 4 : i32
      %mul3A_348 = arith.muli %scan3A_209, %mul3A_347 : i32
      %add3A_349 = arith.constant 3 : i32
      %add3A_350 = arith.addi %mul3A_348, %add3A_349 : i32
      %dma_wait3A_351 = arith.constant 0 : i32
      %dma_wait3A_352 = arith.constant 3 : i32
      %dma_wait3A_353 = arith.constant 0 : i32
      %dma_wait3A_354 = arith.constant 0 : i32
      %dma_wait3A_355 = tpu.memref_slice %arg9[%dma_wait3A_352, %dma_wait3A_353, %dma_wait3A_354] : memref<4x128x64xf32, #tpu.memory_space<vmem>> -> memref<1x128x64xf32, #tpu.memory_space<vmem>>
      %dma_wait3A_356 = tpu.memref_squeeze %dma_wait3A_355 : memref<1x128x64xf32, #tpu.memory_space<vmem>> -> memref<128x64xf32, #tpu.memory_space<vmem>>
      %dma_wait3A_357 = arith.constant 0 : i32
      %dma_wait3A_358 = tpu.memref_slice %arg7[%dma_wait3A_351, %dma_wait3A_357] : memref<82x128xi32, #tpu.memory_space<vmem>> -> memref<1x128xi32, #tpu.memory_space<vmem>>
      %dma_wait3A_359 = tpu.memref_squeeze %dma_wait3A_358 : memref<1x128xi32, #tpu.memory_space<vmem>> -> memref<128xi32, #tpu.memory_space<vmem>>
      %dma_wait3A_360 = arith.constant 0 : i32
      %dma_wait3A_361 = arith.constant 0 : i32
      %dma_wait3A_362 = tpu.memref_slice %arg2[%dma_wait3A_360, %dma_wait3A_361] : memref<10240x64xf32, #tpu.memory_space<hbm>> -> memref<10240x64xf32, #tpu.memory_space<hbm>>
      tpu.wait_indirect_dma semaphore(%arg14 : memref<!tpu.dma_semaphore, #tpu.memory_space<semaphore_mem>>) src(%dma_wait3A_362 : memref<10240x64xf32, #tpu.memory_space<hbm>>) dst(%dma_wait3A_356 : memref<128x64xf32, #tpu.memory_space<vmem>>)
      %dma_start3A_363 = arith.constant 3 : i32
      %dma_start3A_364 = arith.constant 0 : i32
      %dma_start3A_365 = arith.constant 0 : i32
      %dma_start3A_366 = tpu.memref_slice %arg9[%dma_start3A_363, %dma_start3A_364, %dma_start3A_365] : memref<4x128x64xf32, #tpu.memory_space<vmem>> -> memref<1x128x64xf32, #tpu.memory_space<vmem>>
      %dma_start3A_367 = tpu.memref_squeeze %dma_start3A_366 : memref<1x128x64xf32, #tpu.memory_space<vmem>> -> memref<128x64xf32, #tpu.memory_space<vmem>>
      %dma_start3A_368 = arith.constant 0 : i32
      %dma_start3A_369 = tpu.memref_slice %arg8[%add3A_350, %dma_start3A_368] : memref<80x128xi32, #tpu.memory_space<vmem>> -> memref<1x128xi32, #tpu.memory_space<vmem>>
      %dma_start3A_370 = tpu.memref_squeeze %dma_start3A_369 : memref<1x128xi32, #tpu.memory_space<vmem>> -> memref<128xi32, #tpu.memory_space<vmem>>
      %dma_start3A_371 = arith.constant 0 : i32
      %dma_start3A_372 = arith.constant 0 : i32
      %dma_start3A_373 = tpu.memref_slice %arg10[%dma_start3A_371, %dma_start3A_372] : memref<10240x64xf32, #tpu.memory_space<vmem_shared>> -> memref<10240x64xf32, #tpu.memory_space<vmem_shared>>
      tpu.enqueue_indirect_dma source(%dma_start3A_367 : memref<128x64xf32, #tpu.memory_space<vmem>>) target(%dma_start3A_373 : memref<10240x64xf32, #tpu.memory_space<vmem_shared>>) offsets(%dma_start3A_370 : memref<128xi32, #tpu.memory_space<vmem>>) semaphore(%arg18 : memref<!tpu.dma_semaphore, #tpu.memory_space<semaphore_mem>>) {add = true}
      %gt3A_374 = arith.constant 0 : i32
      %gt3A_375 = arith.cmpi sgt, %scan3A_209, %gt3A_374 : i32
      %or3A_376 = arith.constant true
      %or3A_377 = arith.ori %gt3A_375, %or3A_376 : i1
      %convert_element_type3A_378 = arith.extui %or3A_377 : i1 to i32
      %cond3A_379 = arith.constant 0 : i32
      %cond3A_380 = arith.cmpi ne, %convert_element_type3A_378, %cond3A_379 : i32
      scf.if %cond3A_380 {
        %dma_wait3A_394 = arith.constant 1 : i32
        %dma_wait3A_395 = arith.constant 0 : i32
        %dma_wait3A_396 = arith.constant 0 : i32
        %dma_wait3A_397 = arith.constant 0 : i32
        %dma_wait3A_398 = tpu.memref_slice %arg9[%dma_wait3A_394, %dma_wait3A_396, %dma_wait3A_397] : memref<4x128x64xf32, #tpu.memory_space<vmem>> -> memref<1x128x64xf32, #tpu.memory_space<vmem>>
        %dma_wait3A_399 = tpu.memref_squeeze %dma_wait3A_398 : memref<1x128x64xf32, #tpu.memory_space<vmem>> -> memref<128x64xf32, #tpu.memory_space<vmem>>
        %dma_wait3A_400 = arith.constant 0 : i32
        %dma_wait3A_401 = tpu.memref_slice %arg8[%dma_wait3A_395, %dma_wait3A_400] : memref<80x128xi32, #tpu.memory_space<vmem>> -> memref<1x128xi32, #tpu.memory_space<vmem>>
        %dma_wait3A_402 = tpu.memref_squeeze %dma_wait3A_401 : memref<1x128xi32, #tpu.memory_space<vmem>> -> memref<128xi32, #tpu.memory_space<vmem>>
        %dma_wait3A_403 = arith.constant 0 : i32
        %dma_wait3A_404 = arith.constant 0 : i32
        %dma_wait3A_405 = tpu.memref_slice %arg10[%dma_wait3A_403, %dma_wait3A_404] : memref<10240x64xf32, #tpu.memory_space<vmem_shared>> -> memref<10240x64xf32, #tpu.memory_space<vmem_shared>>
        tpu.wait_indirect_dma semaphore(%arg16 : memref<!tpu.dma_semaphore, #tpu.memory_space<semaphore_mem>>) src(%dma_wait3A_399 : memref<128x64xf32, #tpu.memory_space<vmem>>) dst(%dma_wait3A_405 : memref<10240x64xf32, #tpu.memory_space<vmem_shared>>)
      } else {
      }
      %add3A_381 = arith.constant 2 : i32
      %add3A_382 = arith.addi %add3A_350, %add3A_381 : i32
      %dma_start3A_383 = arith.constant 1 : i32
      %dma_start3A_384 = arith.constant 0 : i32
      %dma_start3A_385 = arith.constant 0 : i32
      %dma_start3A_386 = tpu.memref_slice %arg9[%dma_start3A_383, %dma_start3A_384, %dma_start3A_385] : memref<4x128x64xf32, #tpu.memory_space<vmem>> -> memref<1x128x64xf32, #tpu.memory_space<vmem>>
      %dma_start3A_387 = tpu.memref_squeeze %dma_start3A_386 : memref<1x128x64xf32, #tpu.memory_space<vmem>> -> memref<128x64xf32, #tpu.memory_space<vmem>>
      %dma_start3A_388 = arith.constant 0 : i32
      %dma_start3A_389 = tpu.memref_slice %arg7[%add3A_382, %dma_start3A_388] : memref<82x128xi32, #tpu.memory_space<vmem>> -> memref<1x128xi32, #tpu.memory_space<vmem>>
      %dma_start3A_390 = tpu.memref_squeeze %dma_start3A_389 : memref<1x128xi32, #tpu.memory_space<vmem>> -> memref<128xi32, #tpu.memory_space<vmem>>
      %dma_start3A_391 = arith.constant 0 : i32
      %dma_start3A_392 = arith.constant 0 : i32
      %dma_start3A_393 = tpu.memref_slice %arg2[%dma_start3A_391, %dma_start3A_392] : memref<10240x64xf32, #tpu.memory_space<hbm>> -> memref<10240x64xf32, #tpu.memory_space<hbm>>
      tpu.enqueue_indirect_dma source(%dma_start3A_393 : memref<10240x64xf32, #tpu.memory_space<hbm>>) target(%dma_start3A_387 : memref<128x64xf32, #tpu.memory_space<vmem>>) offsets(%dma_start3A_390 : memref<128xi32, #tpu.memory_space<vmem>>) semaphore(%arg12 : memref<!tpu.dma_semaphore, #tpu.memory_space<semaphore_mem>>)
    }
    %scan3A_160 = arith.constant 20 : i32
    %dma_wait3A = arith.constant 2 : i32
    %dma_wait3A_161 = arith.constant 0 : i32
    %dma_wait3A_162 = arith.constant 0 : i32
    %dma_wait3A_163 = arith.constant 0 : i32
    %dma_wait3A_164 = tpu.memref_slice %arg9[%dma_wait3A, %dma_wait3A_162, %dma_wait3A_163] : memref<4x128x64xf32, #tpu.memory_space<vmem>> -> memref<1x128x64xf32, #tpu.memory_space<vmem>>
    %dma_wait3A_165 = tpu.memref_squeeze %dma_wait3A_164 : memref<1x128x64xf32, #tpu.memory_space<vmem>> -> memref<128x64xf32, #tpu.memory_space<vmem>>
    %dma_wait3A_166 = arith.constant 0 : i32
    %dma_wait3A_167 = tpu.memref_slice %arg8[%dma_wait3A_161, %dma_wait3A_166] : memref<80x128xi32, #tpu.memory_space<vmem>> -> memref<1x128xi32, #tpu.memory_space<vmem>>
    %dma_wait3A_168 = tpu.memref_squeeze %dma_wait3A_167 : memref<1x128xi32, #tpu.memory_space<vmem>> -> memref<128xi32, #tpu.memory_space<vmem>>
    %dma_wait3A_169 = arith.constant 0 : i32
    %dma_wait3A_170 = arith.constant 0 : i32
    %dma_wait3A_171 = tpu.memref_slice %arg10[%dma_wait3A_169, %dma_wait3A_170] : memref<10240x64xf32, #tpu.memory_space<vmem_shared>> -> memref<10240x64xf32, #tpu.memory_space<vmem_shared>>
    tpu.wait_indirect_dma semaphore(%arg17 : memref<!tpu.dma_semaphore, #tpu.memory_space<semaphore_mem>>) src(%dma_wait3A_165 : memref<128x64xf32, #tpu.memory_space<vmem>>) dst(%dma_wait3A_171 : memref<10240x64xf32, #tpu.memory_space<vmem_shared>>)
    %dma_wait3A_172 = arith.constant 3 : i32
    %dma_wait3A_173 = arith.constant 0 : i32
    %dma_wait3A_174 = arith.constant 0 : i32
    %dma_wait3A_175 = arith.constant 0 : i32
    %dma_wait3A_176 = tpu.memref_slice %arg9[%dma_wait3A_172, %dma_wait3A_174, %dma_wait3A_175] : memref<4x128x64xf32, #tpu.memory_space<vmem>> -> memref<1x128x64xf32, #tpu.memory_space<vmem>>
    %dma_wait3A_177 = tpu.memref_squeeze %dma_wait3A_176 : memref<1x128x64xf32, #tpu.memory_space<vmem>> -> memref<128x64xf32, #tpu.memory_space<vmem>>
    %dma_wait3A_178 = arith.constant 0 : i32
    %dma_wait3A_179 = tpu.memref_slice %arg8[%dma_wait3A_173, %dma_wait3A_178] : memref<80x128xi32, #tpu.memory_space<vmem>> -> memref<1x128xi32, #tpu.memory_space<vmem>>
    %dma_wait3A_180 = tpu.memref_squeeze %dma_wait3A_179 : memref<1x128xi32, #tpu.memory_space<vmem>> -> memref<128xi32, #tpu.memory_space<vmem>>
    %dma_wait3A_181 = arith.constant 0 : i32
    %dma_wait3A_182 = arith.constant 0 : i32
    %dma_wait3A_183 = tpu.memref_slice %arg10[%dma_wait3A_181, %dma_wait3A_182] : memref<10240x64xf32, #tpu.memory_space<vmem_shared>> -> memref<10240x64xf32, #tpu.memory_space<vmem_shared>>
    tpu.wait_indirect_dma semaphore(%arg18 : memref<!tpu.dma_semaphore, #tpu.memory_space<semaphore_mem>>) src(%dma_wait3A_177 : memref<128x64xf32, #tpu.memory_space<vmem>>) dst(%dma_wait3A_183 : memref<10240x64xf32, #tpu.memory_space<vmem_shared>>)
    %dma_wait3A_184 = arith.constant 0 : i32
    %dma_wait3A_185 = arith.constant 0 : i32
    %dma_wait3A_186 = arith.constant 0 : i32
    %dma_wait3A_187 = arith.constant 0 : i32
    %dma_wait3A_188 = tpu.memref_slice %arg9[%dma_wait3A_185, %dma_wait3A_186, %dma_wait3A_187] : memref<4x128x64xf32, #tpu.memory_space<vmem>> -> memref<1x128x64xf32, #tpu.memory_space<vmem>>
    %dma_wait3A_189 = tpu.memref_squeeze %dma_wait3A_188 : memref<1x128x64xf32, #tpu.memory_space<vmem>> -> memref<128x64xf32, #tpu.memory_space<vmem>>
    %dma_wait3A_190 = arith.constant 0 : i32
    %dma_wait3A_191 = tpu.memref_slice %arg7[%dma_wait3A_184, %dma_wait3A_190] : memref<82x128xi32, #tpu.memory_space<vmem>> -> memref<1x128xi32, #tpu.memory_space<vmem>>
    %dma_wait3A_192 = tpu.memref_squeeze %dma_wait3A_191 : memref<1x128xi32, #tpu.memory_space<vmem>> -> memref<128xi32, #tpu.memory_space<vmem>>
    %dma_wait3A_193 = arith.constant 0 : i32
    %dma_wait3A_194 = arith.constant 0 : i32
    %dma_wait3A_195 = tpu.memref_slice %arg2[%dma_wait3A_193, %dma_wait3A_194] : memref<10240x64xf32, #tpu.memory_space<hbm>> -> memref<10240x64xf32, #tpu.memory_space<hbm>>
    tpu.wait_indirect_dma semaphore(%arg11 : memref<!tpu.dma_semaphore, #tpu.memory_space<semaphore_mem>>) src(%dma_wait3A_195 : memref<10240x64xf32, #tpu.memory_space<hbm>>) dst(%dma_wait3A_189 : memref<128x64xf32, #tpu.memory_space<vmem>>)
    %dma_wait3A_196 = arith.constant 0 : i32
    %dma_wait3A_197 = arith.constant 1 : i32
    %dma_wait3A_198 = arith.constant 0 : i32
    %dma_wait3A_199 = arith.constant 0 : i32
    %dma_wait3A_200 = tpu.memref_slice %arg9[%dma_wait3A_197, %dma_wait3A_198, %dma_wait3A_199] : memref<4x128x64xf32, #tpu.memory_space<vmem>> -> memref<1x128x64xf32, #tpu.memory_space<vmem>>
    %dma_wait3A_201 = tpu.memref_squeeze %dma_wait3A_200 : memref<1x128x64xf32, #tpu.memory_space<vmem>> -> memref<128x64xf32, #tpu.memory_space<vmem>>
    %dma_wait3A_202 = arith.constant 0 : i32
    %dma_wait3A_203 = tpu.memref_slice %arg7[%dma_wait3A_196, %dma_wait3A_202] : memref<82x128xi32, #tpu.memory_space<vmem>> -> memref<1x128xi32, #tpu.memory_space<vmem>>
    %dma_wait3A_204 = tpu.memref_squeeze %dma_wait3A_203 : memref<1x128xi32, #tpu.memory_space<vmem>> -> memref<128xi32, #tpu.memory_space<vmem>>
    %dma_wait3A_205 = arith.constant 0 : i32
    %dma_wait3A_206 = arith.constant 0 : i32
    %dma_wait3A_207 = tpu.memref_slice %arg2[%dma_wait3A_205, %dma_wait3A_206] : memref<10240x64xf32, #tpu.memory_space<hbm>> -> memref<10240x64xf32, #tpu.memory_space<hbm>>
    tpu.wait_indirect_dma semaphore(%arg12 : memref<!tpu.dma_semaphore, #tpu.memory_space<semaphore_mem>>) src(%dma_wait3A_207 : memref<10240x64xf32, #tpu.memory_space<hbm>>) dst(%dma_wait3A_201 : memref<128x64xf32, #tpu.memory_space<vmem>>)
    %barrier3A_208 = arith.constant 0 : index
    tpu.barrier barrier_id(%barrier3A_208)
    "tpu.region"() ({
      %run_scoped3A = tpu.sem_alloc : memref<!tpu.dma_semaphore, #tpu.memory_space<semaphore_mem>>
      %dma_start3A_209 = arith.constant 0 : i32
      %dma_start3A_210 = tpu.memref_slice %arg6[%arg0, %mul3A_2, %dma_start3A_209] : memref<2x10240x64xf32, #tpu.memory_space<hbm>> -> memref<1x640x64xf32, #tpu.memory_space<hbm>>
      %dma_start3A_211 = tpu.memref_squeeze %dma_start3A_210 : memref<1x640x64xf32, #tpu.memory_space<hbm>> -> memref<640x64xf32, #tpu.memory_space<hbm>>
      %dma_start3A_212 = arith.constant 0 : i32
      %dma_start3A_213 = tpu.memref_slice %arg10[%mul3A_2, %dma_start3A_212] : memref<10240x64xf32, #tpu.memory_space<vmem_shared>> -> memref<640x64xf32, #tpu.memory_space<vmem_shared>>
      tpu.enqueue_dma source(%dma_start3A_213 : memref<640x64xf32, #tpu.memory_space<vmem_shared>>) target(%dma_start3A_211 : memref<640x64xf32, #tpu.memory_space<hbm>>) target_semaphore(%run_scoped3A : memref<!tpu.dma_semaphore, #tpu.memory_space<semaphore_mem>>)
      %dma_wait3A_214 = arith.constant 0 : i32
      %dma_wait3A_215 = tpu.memref_slice %arg6[%arg0, %mul3A_2, %dma_wait3A_214] : memref<2x10240x64xf32, #tpu.memory_space<hbm>> -> memref<1x640x64xf32, #tpu.memory_space<hbm>>
      %dma_wait3A_216 = tpu.memref_squeeze %dma_wait3A_215 : memref<1x640x64xf32, #tpu.memory_space<hbm>> -> memref<640x64xf32, #tpu.memory_space<hbm>>
      %dma_wait3A_217 = arith.constant 0 : i32
      %dma_wait3A_218 = tpu.memref_slice %arg10[%mul3A_2, %dma_wait3A_217] : memref<10240x64xf32, #tpu.memory_space<vmem_shared>> -> memref<640x64xf32, #tpu.memory_space<vmem_shared>>
      tpu.wait_dma2 semaphore(%run_scoped3A : memref<!tpu.dma_semaphore, #tpu.memory_space<semaphore_mem>>) src(%dma_wait3A_218 : memref<640x64xf32, #tpu.memory_space<vmem_shared>>) dst(%dma_wait3A_216 : memref<640x64xf32, #tpu.memory_space<hbm>>)
      tpu.yield
    }) : () -> ()
    return
  }
}

module attributes {stable_mosaic.version = 14 : i64} {
  func.func @_fold_body(%arg0: memref<128x64xf32, #tpu.memory_space<vmem>>, %arg1: memref<128x128xf32, #tpu.memory_space<vmem>>, %arg2: memref<128x128xf32, #tpu.memory_space<vmem>>, %arg3: memref<1x128xf32, #tpu.memory_space<vmem>>, %arg4: memref<1x64xf32, #tpu.memory_space<vmem>>, %arg5: memref<128x64xf32, #tpu.memory_space<vmem>>, %arg6: memref<128x64xf32, #tpu.memory_space<vmem>>, %arg7: memref<1x64xf32, #tpu.memory_space<vmem>>) attributes {dimension_semantics = [], scalar_prefetch = 0 : i64, scratch_operands = 0 : i64, tpu.core_type = #tpu.core_type<tc>} {
    %get3A = arith.constant 0 : index
    %get3A_0 = arith.constant 0 : index
    %get3A_1 = vector.load %arg0[%get3A, %get3A_0] : memref<128x64xf32, #tpu.memory_space<vmem>>, vector<128x64xf32>
    %get3A_2 = arith.constant 0 : index
    %get3A_3 = arith.constant 0 : index
    %get3A_4 = vector.load %arg1[%get3A_2, %get3A_3] : memref<128x128xf32, #tpu.memory_space<vmem>>, vector<128x128xf32>
    %dot_general3A = arith.constant dense<0.000000e+00> : vector<128x64xf32>
    %dot_general3A_5 = tpu.matmul %get3A_4, %get3A_1, %dot_general3A {dimension_numbers = #tpu.dot_dimension_numbers<[1], [0], [0], [1], [0, 0, 1, 1], [], []>, precision = #tpu.contract_precision<fp32>, transpose_lhs_hint = false} : vector<128x128xf32>, vector<128x64xf32>, vector<128x64xf32> -> vector<128x64xf32>
    %swap3A = arith.constant 0 : index
    %swap3A_6 = arith.constant 0 : index
    %swap3A_7 = vector.load %arg5[%swap3A, %swap3A_6] : memref<128x64xf32, #tpu.memory_space<vmem>>, vector<128x64xf32>
    tpu.vector_store %arg5[%swap3A, %swap3A_6], %dot_general3A_5 {strides = array<i32>} : memref<128x64xf32, #tpu.memory_space<vmem>>, vector<128x64xf32>,
    %get3A_8 = arith.constant 0 : index
    %get3A_9 = arith.constant 0 : index
    %get3A_10 = vector.load %arg2[%get3A_8, %get3A_9] : memref<128x128xf32, #tpu.memory_space<vmem>>, vector<128x128xf32>
    %dot_general3A_11 = arith.constant dense<0.000000e+00> : vector<128x64xf32>
    %dot_general3A_12 = tpu.matmul %get3A_10, %get3A_1, %dot_general3A_11 {dimension_numbers = #tpu.dot_dimension_numbers<[1], [0], [0], [1], [0, 0, 1, 1], [], []>, precision = #tpu.contract_precision<fp32>, transpose_lhs_hint = false} : vector<128x128xf32>, vector<128x64xf32>, vector<128x64xf32> -> vector<128x64xf32>
    %swap3A_13 = arith.constant 0 : index
    %swap3A_14 = arith.constant 0 : index
    %swap3A_15 = vector.load %arg6[%swap3A_13, %swap3A_14] : memref<128x64xf32, #tpu.memory_space<vmem>>, vector<128x64xf32>
    tpu.vector_store %arg6[%swap3A_13, %swap3A_14], %dot_general3A_12 {strides = array<i32>} : memref<128x64xf32, #tpu.memory_space<vmem>>, vector<128x64xf32>,
    %get3A_16 = arith.constant 0 : index
    %get3A_17 = arith.constant 0 : index
    %get3A_18 = vector.load %arg3[%get3A_16, %get3A_17] : memref<1x128xf32, #tpu.memory_space<vmem>>, vector<1x128xf32>
    %dot_general3A_19 = arith.constant dense<0.000000e+00> : vector<1x64xf32>
    %dot_general3A_20 = tpu.matmul %get3A_18, %get3A_1, %dot_general3A_19 {dimension_numbers = #tpu.dot_dimension_numbers<[1], [0], [0], [1], [0, 0, 1, 1], [], []>, precision = #tpu.contract_precision<fp32>, transpose_lhs_hint = false} : vector<1x128xf32>, vector<128x64xf32>, vector<1x64xf32> -> vector<1x64xf32>
    %get3A_21 = arith.constant 0 : index
    %get3A_22 = arith.constant 0 : index
    %get3A_23 = vector.load %arg4[%get3A_21, %get3A_22] : memref<1x64xf32, #tpu.memory_space<vmem>>, vector<1x64xf32>
    %add3A = arith.addf %dot_general3A_20, %get3A_23 : vector<1x64xf32>
    %swap3A_24 = arith.constant 0 : index
    %swap3A_25 = arith.constant 0 : index
    %swap3A_26 = vector.load %arg7[%swap3A_24, %swap3A_25] : memref<1x64xf32, #tpu.memory_space<vmem>>, vector<1x64xf32>
    tpu.vector_store %arg7[%swap3A_24, %swap3A_25], %add3A {strides = array<i32>} : memref<1x64xf32, #tpu.memory_space<vmem>>, vector<1x64xf32>,
    return
  }
}

module attributes {stable_mosaic.version = 14 : i64} {
  func.func @_uv_body(%arg0: i32, %arg1: memref<2048x128xf32, #tpu.memory_space<vmem>>, %arg2: memref<128x64xf32, #tpu.memory_space<vmem>>, %arg3: memref<128x64xf32, #tpu.memory_space<vmem>>, %arg4: memref<2048x64xf32, #tpu.memory_space<vmem>>, %arg5: memref<2048x64xf32, #tpu.memory_space<vmem>>) attributes {dimension_semantics = [#tpu.dimension_semantics<arbitrary>], iteration_bounds = array<i64: 5>, scalar_prefetch = 0 : i64, scratch_operands = 0 : i64, tpu.core_type = #tpu.core_type<tc>, window_params = [{transform_indices = @transform_0, window_bounds = array<i64: 2048, 128>}, {pipeline_mode = #tpu.pipeline_mode<synchronous>, transform_indices = @transform_1, window_bounds = array<i64: 128, 64>}, {pipeline_mode = #tpu.pipeline_mode<synchronous>, transform_indices = @transform_2, window_bounds = array<i64: 128, 64>}, {transform_indices = @transform_3, window_bounds = array<i64: 2048, 64>}, {transform_indices = @transform_4, window_bounds = array<i64: 2048, 64>}]} {
    %get3A = arith.constant 0 : index
    %get3A_0 = arith.constant 0 : index
    %get3A_1 = vector.load %arg1[%get3A, %get3A_0] : memref<2048x128xf32, #tpu.memory_space<vmem>>, vector<2048x128xf32>
    %get3A_2 = arith.constant 0 : index
    %get3A_3 = arith.constant 0 : index
    %get3A_4 = vector.load %arg2[%get3A_2, %get3A_3] : memref<128x64xf32, #tpu.memory_space<vmem>>, vector<128x64xf32>
    %dot_general3A = arith.constant dense<0.000000e+00> : vector<2048x64xf32>
    %dot_general3A_5 = tpu.matmul %get3A_1, %get3A_4, %dot_general3A {dimension_numbers = #tpu.dot_dimension_numbers<[1], [0], [0], [1], [0, 0, 1, 1], [], []>, precision = #tpu.contract_precision<fp32>, transpose_lhs_hint = false} : vector<2048x128xf32>, vector<128x64xf32>, vector<2048x64xf32> -> vector<2048x64xf32>
    %swap3A = arith.constant 0 : index
    %swap3A_6 = arith.constant 0 : index
    %swap3A_7 = vector.load %arg4[%swap3A, %swap3A_6] : memref<2048x64xf32, #tpu.memory_space<vmem>>, vector<2048x64xf32>
    tpu.vector_store %arg4[%swap3A, %swap3A_6], %dot_general3A_5 {strides = array<i32>} : memref<2048x64xf32, #tpu.memory_space<vmem>>, vector<2048x64xf32>,
    %get3A_8 = arith.constant 0 : index
    %get3A_9 = arith.constant 0 : index
    %get3A_10 = vector.load %arg3[%get3A_8, %get3A_9] : memref<128x64xf32, #tpu.memory_space<vmem>>, vector<128x64xf32>
    %dot_general3A_11 = arith.constant dense<0.000000e+00> : vector<2048x64xf32>
    %dot_general3A_12 = tpu.matmul %get3A_1, %get3A_10, %dot_general3A_11 {dimension_numbers = #tpu.dot_dimension_numbers<[1], [0], [0], [1], [0, 0, 1, 1], [], []>, precision = #tpu.contract_precision<fp32>, transpose_lhs_hint = false} : vector<2048x128xf32>, vector<128x64xf32>, vector<2048x64xf32> -> vector<2048x64xf32>
    %swap3A_13 = arith.constant 0 : index
    %swap3A_14 = arith.constant 0 : index
    %swap3A_15 = vector.load %arg5[%swap3A_13, %swap3A_14] : memref<2048x64xf32, #tpu.memory_space<vmem>>, vector<2048x64xf32>
    tpu.vector_store %arg5[%swap3A_13, %swap3A_14], %dot_general3A_12 {strides = array<i32>} : memref<2048x64xf32, #tpu.memory_space<vmem>>, vector<2048x64xf32>,
    return
  }
  func.func @transform_0(%arg0: i32) -> (i32, i32) {
    %c0_i32 = arith.constant 0 : i32
    %c0_i32_0 = arith.constant 0 : i32
    return %arg0, %c0_i32 : i32, i32
  }
  func.func @transform_1(%arg0: i32) -> (i32, i32) {
    %c0_i32 = arith.constant 0 : i32
    %c0_i32_0 = arith.constant 0 : i32
    %c0_i32_1 = arith.constant 0 : i32
    return %c0_i32, %c0_i32_0 : i32, i32
  }
  func.func @transform_2(%arg0: i32) -> (i32, i32) {
    %c0_i32 = arith.constant 0 : i32
    %c0_i32_0 = arith.constant 0 : i32
    %c0_i32_1 = arith.constant 0 : i32
    return %c0_i32, %c0_i32_0 : i32, i32
  }
  func.func @transform_3(%arg0: i32) -> (i32, i32) {
    %c0_i32 = arith.constant 0 : i32
    %c0_i32_0 = arith.constant 0 : i32
    return %arg0, %c0_i32 : i32, i32
  }
  func.func @transform_4(%arg0: i32) -> (i32, i32) {
    %c0_i32 = arith.constant 0 : i32
    %c0_i32_0 = arith.constant 0 : i32
    return %arg0, %c0_i32 : i32, i32
  }
}

module attributes {stable_mosaic.version = 14 : i64} {
  func.func @_head_body(%arg0: i32, %arg1: memref<2048x64xf32, #tpu.memory_space<vmem>>, %arg2: memref<2048x64xf32, #tpu.memory_space<vmem>>, %arg3: memref<2048x64xf32, #tpu.memory_space<vmem>>, %arg4: memref<1x64xf32, #tpu.memory_space<vmem>>, %arg5: memref<1x64xf32, #tpu.memory_space<vmem>>, %arg6: memref<1x1xf32, #tpu.memory_space<vmem>>, %arg7: memref<2048xf32, #tpu.memory_space<vmem>>) attributes {dimension_semantics = [#tpu.dimension_semantics<arbitrary>], iteration_bounds = array<i64: 5>, scalar_prefetch = 0 : i64, scratch_operands = 0 : i64, tpu.core_type = #tpu.core_type<tc>, window_params = [{transform_indices = @transform_0, window_bounds = array<i64: 2048, 64>}, {transform_indices = @transform_1, window_bounds = array<i64: 2048, 64>}, {transform_indices = @transform_2, window_bounds = array<i64: 2048, 64>}, {pipeline_mode = #tpu.pipeline_mode<synchronous>, transform_indices = @transform_3, window_bounds = array<i64: 1, 64>}, {pipeline_mode = #tpu.pipeline_mode<synchronous>, transform_indices = @transform_4, window_bounds = array<i64: 1, 64>}, {pipeline_mode = #tpu.pipeline_mode<synchronous>, transform_indices = @transform_5, window_bounds = array<i64: 1, 1>}, {transform_indices = @transform_6, window_bounds = array<i64: 2048>}]} {
    %get3A = arith.constant 0 : index
    %get3A_0 = arith.constant 0 : index
    %get3A_1 = vector.load %arg1[%get3A, %get3A_0] : memref<2048x64xf32, #tpu.memory_space<vmem>>, vector<2048x64xf32>
    %get3A_2 = arith.constant 0 : index
    %get3A_3 = arith.constant 0 : index
    %get3A_4 = vector.load %arg2[%get3A_2, %get3A_3] : memref<2048x64xf32, #tpu.memory_space<vmem>>, vector<2048x64xf32>
    %add3A = arith.addf %get3A_1, %get3A_4 : vector<2048x64xf32>
    %get3A_5 = arith.constant 0 : index
    %get3A_6 = arith.constant 0 : index
    %get3A_7 = vector.load %arg3[%get3A_5, %get3A_6] : memref<2048x64xf32, #tpu.memory_space<vmem>>, vector<2048x64xf32>
    %add3A_8 = arith.addf %add3A, %get3A_7 : vector<2048x64xf32>
    %get3A_9 = arith.constant 0 : index
    %get3A_10 = arith.constant 0 : index
    %get3A_11 = vector.load %arg4[%get3A_9, %get3A_10] : memref<1x64xf32, #tpu.memory_space<vmem>>, vector<1x64xf32>
    %add3A_12 = vector.broadcast %get3A_11 : vector<1x64xf32> to vector<2048x64xf32>
    %add3A_13 = arith.addf %add3A_8, %add3A_12 : vector<2048x64xf32>
    %max3A = arith.constant 0.000000e+00 : f32
    %max3A_14 = vector.broadcast %max3A : f32 to vector<2048x64xf32>
    %max3A_15 = arith.maximumf %add3A_13, %max3A_14 : vector<2048x64xf32>
    %get3A_16 = arith.constant 0 : index
    %get3A_17 = arith.constant 0 : index
    %get3A_18 = vector.load %arg5[%get3A_16, %get3A_17] : memref<1x64xf32, #tpu.memory_space<vmem>>, vector<1x64xf32>
    %mul3A = vector.broadcast %get3A_18 : vector<1x64xf32> to vector<2048x64xf32>
    %mul3A_19 = arith.mulf %max3A_15, %mul3A : vector<2048x64xf32>
    %reduce_sum3A = arith.constant dense<0.000000e+00> : vector<2048xf32>
    %reduce_sum3A_20 = vector.multi_reduction <add>, %mul3A_19, %reduce_sum3A [1] : vector<2048x64xf32> to vector<2048xf32>
    %get3A_21 = arith.constant 0 : index
    %get3A_22 = arith.constant 0 : index
    %get3A_23 = vector.load %arg6[%get3A_21, %get3A_22] : memref<1x1xf32, #tpu.memory_space<vmem>>, vector<1x1xf32>
    %get3A_24 = vector.extract %get3A_23[0, 0] : f32 from vector<1x1xf32>
    %add3A_25 = vector.broadcast %get3A_24 : f32 to vector<2048xf32>
    %add3A_26 = arith.addf %reduce_sum3A_20, %add3A_25 : vector<2048xf32>
    %swap3A = arith.constant 0 : index
    %swap3A_27 = vector.load %arg7[%swap3A] : memref<2048xf32, #tpu.memory_space<vmem>>, vector<2048xf32>
    tpu.vector_store %arg7[%swap3A], %add3A_26 {strides = array<i32>} : memref<2048xf32, #tpu.memory_space<vmem>>, vector<2048xf32>,
    return
  }
  func.func @transform_0(%arg0: i32) -> (i32, i32) {
    %c0_i32 = arith.constant 0 : i32
    %c0_i32_0 = arith.constant 0 : i32
    return %arg0, %c0_i32 : i32, i32
  }
  func.func @transform_1(%arg0: i32) -> (i32, i32) {
    %c0_i32 = arith.constant 0 : i32
    %c0_i32_0 = arith.constant 0 : i32
    return %arg0, %c0_i32 : i32, i32
  }
  func.func @transform_2(%arg0: i32) -> (i32, i32) {
    %c0_i32 = arith.constant 0 : i32
    %c0_i32_0 = arith.constant 0 : i32
    return %arg0, %c0_i32 : i32, i32
  }
  func.func @transform_3(%arg0: i32) -> (i32, i32) {
    %c0_i32 = arith.constant 0 : i32
    %c0_i32_0 = arith.constant 0 : i32
    %c0_i32_1 = arith.constant 0 : i32
    return %c0_i32, %c0_i32_0 : i32, i32
  }
  func.func @transform_4(%arg0: i32) -> (i32, i32) {
    %c0_i32 = arith.constant 0 : i32
    %c0_i32_0 = arith.constant 0 : i32
    %c0_i32_1 = arith.constant 0 : i32
    return %c0_i32, %c0_i32_0 : i32, i32
  }
  func.func @transform_5(%arg0: i32) -> (i32, i32) {
    %c0_i32 = arith.constant 0 : i32
    %c0_i32_0 = arith.constant 0 : i32
    %c0_i32_1 = arith.constant 0 : i32
    return %c0_i32, %c0_i32_0 : i32, i32
  }
  func.func @transform_6(%arg0: i32) -> i32 {
    %c0_i32 = arith.constant 0 : i32
    return %arg0 : i32
  }
}

</mosaic_0001>

<sc_bundles>
// kernel: kernel.6.cloned.1.call-start
scs
__scs_entry_jumppad:
0x0: {  	(pc) =	sbr.rel $0x88, $3  }
0x1: {  	(tag) =	ssettag $0x0;
	lr =	simm.s32 $0x1  }
0x2: {  	[smem:$0x3F98] =	sst lr;
	_ =	strace $0xD0000000  }
0x3: {  	_ = 	snop  }
0x4: {  	_ = 	snop  }
0x5: {  	_ = 	snop  }
0x6: {  	_ = 	snop  }
0x7: {  	_ = 	snop  }
__scs_overlays_trampoline_lowered:
0x8: {  	[smem:$0x3FA7] =	sst s0  }
0x9: {  	[smem:$0x3FA8] =	sst s1  }
0xa: {  	[smem:$0x3FA9] =	sst s2  }
0xb: {  	[smem:$0x3FAA] =	sst s3  }
0xc: {  	[smem:$0x3FAB] =	sst s4  }
0xd: {  	[smem:$0x3FAC] =	sst s5  }
0xe: {  	[smem:$0x3FAD] =	sst s6  }
0xf: {  	[smem:$0x3FAE] =	sst s7  }
0x10: {  	[smem:$0x3FAF] =	sst s8  }
0x11: {  	[smem:$0x3FB0] =	sst s9;
	s0 =	simm.s32 @!p0 $0x0  }
0x12: {  	s1 =	sld [smem:$0x3F96];
	s0 =	simm.s32 @p0 $0x1  }
0x13: {  	[smem:$0x3FB1] =	sst s0;
	s0 =	simm.s32 @!p1 $0x0  }
0x14: {  	s2 =	sld [smem:$0x3F95];
	s0 =	simm.s32 @p1 $0x1  }
0x15: {  	[smem:$0x3FB2] =	sst s0;
	s0 =	simm.s32 @!p2 $0x0  }
0x16: {  	s3 =	sld [smem:$0x3FDB];
	s0 =	simm.s32 @p2 $0x1  }
0x17: {  	s4 =	simm.s32 $0x1BF5;
	[smem:$0x3FB4] =	sst s0  }
0x18: {  	s0 =	sld [smem:$0x3F97];
	_ =	swait.ge [sflag:s4], $0x0  }
0x19: {  	s7 =	sld [smem:$0x3F98]  }
0x1a: {  	s8 =	sadd.s32 $0xFFFFE003, lr  }
0x1b: {  	s9 =	sadd.s32 $0xFFFFFEF7, lr;
	s5 =	simm.s32 $0xFFFFFFFF;
	p2 =	slt.u32 s8, $0xFFFFF086  }
0x1c: {  	p1 =	slt.u32 s9, $0xF7A;
	s5 =	simm.s32 @!p2 $0x0  }
0x1d: {  	s5 =	simm.s32 @p1 $0x1;
	p0 =	seq.s32 s7, s2  }
0x1e: {  	s7 =	smul.u32 @!p0 $0xF7A, s2;
	p2 =	seq.s32 @!p0 s5, $0x0  }
0x1f: {  	s9 =	smul.u32 $0xF7A, s1;
	s8 =	simm.s32 @!p0 $0x1BF5;
	p2 =	por !p2, p0  }
0x20: {  	[sflag:s8] =	ssyncset.s32 @!p0 $0xFFFFF086;
	s6 =	sadd.s32 @!p0 s3, s7;
	s7 =	simm.s32 @!p0 $0x108  }
0x21: {  	s3 =	sadd.s32 s3, s9;
	s6 =	sadd.s32 @!p0 $0x88, s6;
	s7 =	simm.s32 @p2 $0x1082  }
0x22: {  	[simem:s7], [sflag:s8] =	dma.local @!p0 [hbm:s6], $0xF7A  }
0x23: {  	s9 =	sor.u32 $0xD0000000, s2;
	s6 =	simm.s32 $0x108;
	_ =	swait.ge @!p0 [sflag:s8], $0x0  }
0x24: {  	s3 =	sadd.s32 $0x88, s3;
	s6 =	simm.s32 @!p1 $0x1082;
	[sflag:s4] =	ssyncset.s32 $0xFFFFF086  }
0x25: {  	[simem:s6], [sflag:s4] =	dma.local [hbm:s3], $0xF7A  }
0x26: {  	[smem:$0x3F98] =	sst s1;
	(tag) =	ssettag s2;
	_ =	strace s9  }
0x27: {  	s1 =	sld [smem:$0x3FA8]  }
0x28: {  	s2 =	sld [smem:$0x3FA9]  }
0x29: {  	s4 =	sld [smem:$0x3FAB]  }
0x2a: {  	p0 =	seq.s32 s5, $0x0;
	s5 =	sld [smem:$0x3FAC]  }
0x2b: {  	s6 =	sld [smem:$0x3FAD]  }
0x2c: {  	s7 =	sld [smem:$0x3FAE]  }
0x2d: {  	s3 =	simm.s32 $0x108;
	s8 =	sld [smem:$0x3FAF]  }
0x2e: {  	s3 =	simm.s32 @!p0 $0x1082;
	s9 =	sld [smem:$0x3FB0]  }
0x2f: {  	lr =	sadd.s32 s0, s3;
	s0 =	sld [smem:$0x3FA7]  }
0x30: {  	s3 =	sld [smem:$0x3FAA]  }
0x31: {  	[smem:$0x3FB3] =	sst s10  }
0x32: {  	s10 =	sld [smem:$0x3FB1];
	_ =	sdelay $0x3  }
0x33: {  	p0 =	seq.s32 s10, $0x1;
	s10 =	sld [smem:$0x3FB3];
	_ =	sdelay $0x3  }
0x34: {  	[smem:$0x3FB3] =	sst s10  }
0x35: {  	s10 =	sld [smem:$0x3FB2];
	_ =	sdelay $0x3  }
0x36: {  	p1 =	seq.s32 s10, $0x1;
	s10 =	sld [smem:$0x3FB3];
	_ =	sdelay $0x3  }
0x37: {  	[smem:$0x3FB3] =	sst s10  }
0x38: {  	s10 =	sld [smem:$0x3FB4]  }
0x39: {  	_ = 	snop;
	(pc) =	sbr.ind lr, $3  }
0x3a: {  	_ = 	snop  }
0x3b: {  	_ = 	snop  }
0x3c: {  	p2 =	seq.s32 s10, $0x1;
	s10 =	sld [smem:$0x3FB3]  }
0x3d: {  	_ =	shalt  }
0x3e: {  	_ =	shalt  }
0x3f: {  	_ =	shalt  }
0x40: {  	_ =	shalt  }
0x41: {  	_ =	shalt  }
0x42: {  	_ =	shalt  }
0x43: {  	_ =	shalt  }
0x44: {  	_ =	shalt  }
0x45: {  	_ =	shalt  }
0x46: {  	_ =	shalt  }
0x47: {  	_ =	shalt  }
0x48: {  	_ =	shalt  }
0x49: {  	_ =	shalt  }
0x4a: {  	_ =	shalt  }
0x4b: {  	_ =	shalt  }
0x4c: {  	_ =	shalt  }
0x4d: {  	_ =	shalt  }
0x4e: {  	_ =	shalt  }
0x4f: {  	_ =	shalt  }
0x50: {  	_ =	shalt  }
0x51: {  	_ =	shalt  }
0x52: {  	_ =	shalt  }
0x53: {  	_ =	shalt  }
0x54: {  	_ =	shalt  }
0x55: {  	_ =	shalt  }
0x56: {  	_ =	shalt  }
0x57: {  	_ =	shalt  }
0x58: {  	_ =	shalt  }
0x59: {  	_ =	shalt  }
0x5a: {  	_ =	shalt  }
0x5b: {  	_ =	shalt  }
0x5c: {  	_ =	shalt  }
0x5d: {  	_ =	shalt  }
0x5e: {  	_ =	shalt  }
0x5f: {  	_ =	shalt  }
0x60: {  	_ =	shalt  }
0x61: {  	_ =	shalt  }
0x62: {  	_ =	shalt  }
0x63: {  	_ =	shalt  }
0x64: {  	_ =	shalt  }
0x65: {  	_ =	shalt  }
0x66: {  	_ =	shalt  }
0x67: {  	_ =	shalt  }
0x68: {  	_ =	shalt  }
0x69: {  	_ =	shalt  }
0x6a: {  	_ =	shalt  }
0x6b: {  	_ =	shalt  }
0x6c: {  	_ =	shalt  }
0x6d: {  	_ =	shalt  }
0x6e: {  	_ =	shalt  }
0x6f: {  	_ =	shalt  }
0x70: {  	_ =	shalt  }
0x71: {  	_ =	shalt  }
0x72: {  	_ =	shalt  }
0x73: {  	_ =	shalt  }
0x74: {  	_ =	shalt  }
0x75: {  	_ =	shalt  }
0x76: {  	_ =	shalt  }
0x77: {  	_ =	shalt  }
0x78: {  	_ =	shalt  }
0x79: {  	_ =	shalt  }
0x7a: {  	_ =	shalt  }
0x7b: {  	_ =	shalt  }
0x7c: {  	_ =	shalt  }
0x7d: {  	_ =	shalt  }
0x7e: {  	_ =	shalt  }
0x7f: {  	_ =	shalt  }
0x80: {  	_ =	shalt  }
0x81: {  	_ =	shalt  }
0x82: {  	_ =	shalt  }
0x83: {  	_ =	shalt  }
0x84: {  	_ =	shalt  }
0x85: {  	_ =	shalt  }
0x86: {  	_ =	shalt  }
0x87: {  	_ =	shalt  }
.Lfunc_end0:
.L_simem_size_0:
called_computation_lowered:
.L_overlay_start_0:
0x88: {  	s2 =	sld [smem:$0x3FD9]  }
0x89: {  	s3 =	sld [smem:$0x3FFE];
	_ =	sdelay $0x1  }
0x8a: {  	s1 =	srdreg.scid  }
0x8b: {  	s0 =	sand.u32 $0x1, s1  }
0x8c: {  	s16 =	sshll.u32 s0, $0xA;
	s2 =	sadd.s32 s3, s2  }
0x8d: {  	s2 =	sadd.s32 s2, s16  }
0x8e: {  	[smem:$0x3FBF] =	sst s2  }
0x8f: {  	_ = 	snop  }
0x90: {  	(tm) =	ssettm $0x1  }
0x91: {  	s17 =	sld [smem:$0x3FFB];
	_ =	sdelay $0x3  }
0x92: {  	_ =	strace s17  }
0x93: {  	s2 =	sld [smem:$0x3FFC];
	_ =	sdelay $0x3  }
0x94: {  	_ =	strace s2  }
0x95: {  	s2 =	sld [smem:$0x3FFD];
	_ =	sdelay $0x3  }
0x96: {  	_ =	strace s2  }
0x97: {  	_ =	strace $0x8FFFFFFF  }
0x98: {  	s18 =	sld [smem:$0x3FDB];
	_ =	sdelay $0x1  }
0x99: {  	s19 =	simm.s32 $_scs_section_size  }
0x9a: {  	s4 =	simm.s32 $_size__tile_overlayer_lowered;
	s5 =	simm.s32 $_tile_overlayer_lowered  }
0x9b: {  	s22 =	simm.s32 $0x1BFF;
	s21 =	sshll.u32 s5, $0x1;
	s2 =	sadd.s32 s19, s18  }
0x9c: {  	s6 =	simm.s32 $0x0;
	s20 =	sshll.u32 s4, $0x1;
	s4 =	sadd.s32 s21, s2  }
0x9d: {  	[timem:s6], [sflag:s22] =	dma.local [hbm:s4], s20  }
0x9e: {  	_ =	swait.ge [sflag:s22], s20  }
0x9f: {  	s3 =	ssub.s32 $0x0, s20;
	[sflag:s22] =	ssyncset.done $0x0  }
0xa0: {  	[sflag:s22] =	ssyncadd.s32 s3;
	_ =	sdelay $0x1  }
0xa1: {  	s23 =	simm.s32 $0x1B8B  }
0xa2: {  	_ =	swait.ge [sflag:s23], $0x1  }
0xa3: {  	[sflag:s23] =	ssyncset.done $0x0  }
0xa4: {  	s25 =	simm.s32 $0x1B8E;
	s24 =	sld [smem:$0x3FFE];
	[sflag:s23] =	ssyncadd.s32 $0xFFFFFFFF  }
0xa5: {  	s26 =	simm.s32 $execute0_lowered;
	[smem:$0x3FD2] =	sst s25  }
0xa6: {  	s4 =	sshll.u32 s26, $0x1;
	_ =	strace $0x80000046;
	[dreg:$0x1] =	wrdreg $0xFFFFFFFF  }
0xa7: {  	s28 =	simm.s32 $_size_execute0_lowered;
	s2 =	sadd.s32 s2, s4;
	[dreg:$0x0] =	wrdreg $0x0  }
0xa8: {  	s4 =	sshll.u32 s28, $0x1;
	[dreg:$0x2] =	wrdreg s2  }
0xa9: {  	[dreg:$0x3] =	wrdreg s4  }
0xaa: {  	[dreg:$0x4] =	wrdreg $0xC0  }
0xab: {  	_ =	task [dreg:s6], $0x5FFFF  }
0xac: {  	[dreg:$0x1] =	wrdreg $0xFFFFFFFF  }
0xad: {  	[dreg:$0x0] =	wrdreg $0x60  }
0xae: {  	[dreg:$0x2] =	wrdreg s24  }
0xaf: {  	[dreg:$0x3] =	wrdreg $0xD1000  }
0xb0: {  	[dreg:$0x4] =	wrdreg $0x9  }
0xb1: {  	_ =	task.clear_ibuf [dreg:s6], $0x5FFFF;
	_ =	strace $0x90000046  }
0xb2: {  	s29 =	simm.s32 $0x9;
	_ =	strace $0x80000048  }
0xb3: {  	_ =	swait.ge [sflag:s29], $0x1  }
0xb4: {  	[sflag:s29] =	ssyncadd.s32 $0xFFFFFFFF  }
0xb5: {  	_ =	strace $0x90000048  }
0xb6: {  	_ =	sfence  }
0xb7: {  	s30 =	sld [smem:$0x0];
	_ =	sdelay $0x2  }
0xb8: {  	s31 =	sshll.u32 s1, $0xD;
	s1 =	sshrl.u32 s1, $0x2  }
0xb9: {  	s3 =	sand.u32 $0x4000, s31;
	s1 =	sadd.s32 s1, s30  }
0xba: {  	s0 =	sor.u32 s3, s0;
	s1 =	sshll.u32 s1, $0x11  }
0xbb: {  	s0 =	sor.u32 s1, s0  }
0xbc: {  	s0 =	sadd.s32 $0x8F2B, s0  }
0xbd: {  	[sflag:s0] =	ssyncadd.remote.s32 $0x1  }
0xbe: {  	_ =	sfence.sel $0xFFFF  }
0xbf: {  	[dreg:$0x0] =	wrdreg $0xFFFFFFFF;
	(pc) =	sbr.abs _section_cstart, $3  }
0xc0: {  	[dreg:$0x1] =	wrdreg $0xFFFFFFFF  }
0xc1: {  	_ =	task.clear_ibuf [dreg:s6], $0x2FFFF;
	_ =	strace $0x9FFFFFFF  }
0xc2: {  	(tm) =	ssettm $0x7FFFFFFF  }
0xc3: {  	_ =	shalt  }
tec
execute0_lowered:
.L_overlay_start_1:
0x0: {  	(tag) =	ssettag $0x1  }
0x1: {  	s0 =	srdreg.scid;
	s5 =	rddreg [dreg:$0x0]  }
0x2: {  	s14 =	stileid.u32;
	s2 =	rddreg [dreg:$0x1];
	s3 =	simm.s32 $0x0  }
0x3: {  	s10 =	simm.s32 $0x9;
	s11 =	simm.s32 $0x80;
	s12 =	simm.s32 $0x5100  }
0x4: {  	s13 =	simm.s32 $0x7100;
	s17 =	simm.s32 $0x1;
	s19 =	simm.s32 $0x9100  }
0x5: {  	s20 =	simm.s32 $0x2;
	s23 =	simm.s32 $0xB100;
	s24 =	simm.s32 $0x3  }
0x6: {  	s29 =	simm.s32 $0x4;
	s30 =	simm.s32 $0x2A80;
	s31 =	simm.s32 $0x6  }
0x7: {  	s18 =	simm.s32 $0x8;
	s21 =	simm.s32 $0x0;
	s0 =	sand.u32 $0x1, s0  }
0x8: {  	s1 =	sshll.u32 s14, $0x1;
	s7 =	smul.u32 $0xA000, s14;
	[smem:$0x7FF] =	sst s3  }
0x9: {  	s4 =	sadd.s32 $0xA00, s5;
	s28 =	sshll.u32 s14, $0x6;
	s14 =	simm.s32 $0x2900  }
0xa: {  	s1 =	sor.u32 s0, s1;
	s6 =	smul.u32 $0xA0000, s0;
	_ =	strace $0x80000047  }
0xb: {  	s0 =	ssub.s32 $0x2, s0;
	s15 =	sor.u32 $0x1C09, s28;
	s1 =	smul.u32 $0x500, s1  }
0xc: {  	s8 =	sshrl.u32 s7, $0x3;
	s25 =	sshrl.u32 s0, $0x1;
	s26 =	sadd.s32 s7, s2  }
0xd: {  	s6 =	sadd.s32 s7, s6;
	s8 =	sadd.s32 s8, s5;
	s0 =	ssub.s32 s0, s25  }
0xe: {  	s16 =	sshrl.u32 s26, $0x3;
	s26 =	simm.s32 $0x5;
	s6 =	sshrl.u32 s6, $0x3  }
0xf: {  	s1 =	sadd.s32 s1, s5;
	s7 =	sadd.s32 $0x28A00, s8;
	s9 =	sadd.s32 s6, s5  }
0x10: {  	s5 =	sadd.s32 $0x1EA00, s1;
	s6 =	sadd.s32 $0x14A00, s1;
	s1 =	simm.s32 $0x280  }
0x11: {  	v0 =	vimm.s32 $0x0;
	s8 =	sadd.s32 $0x3CA00, s9;
	s9 =	smax.u32 s0, $0x1;
	s0 =	simm.s32 $0x7  }
.LBB2_1:
0x12: {  	[tilespmem:s3], [sflag:$0x9] =	stream.linear.gather [hbm4b:s5+s3], $0x2800, $0x38;
	[tilespmem:$0x17100] =	vst v63  }
0x13: {  	_ =	swait.ge [sflag:s10], $0x2800  }
0x14: {  	[sflag:s10] =	ssyncset.done $0x0  }
0x15: {  	[sflag:s10] =	ssyncadd.s32 $0xFFFFD800  }
0x16: {  	[tilespmem:s12], [sflag:$0x1] =	stream.indirect.gather [hbm4b:s4+s11], $0x40, s3, s11, $0xb8;
	[tilespmem:$0x17100] =	vst v63  }
0x17: {  	_ = 	snop  }
0x18: {  	[tilespmem:s13], [sflag:$0x2] =	stream.indirect.gather [hbm4b:s4+s11], $0x40, s11, s11, $0xb8;
	[tilespmem:$0x17100] =	vst v63  }
0x19: {  	[tilespmem:$0x2800] =	vst v0  }
0x1a: {  	[tilespmem:$0x2810] =	vst v0  }
0x1b: {  	[tilespmem:$0x2820] =	vst v0  }
0x1c: {  	[tilespmem:$0x2830] =	vst v0  }
0x1d: {  	[tilespmem:$0x2840] =	vst v0  }
0x1e: {  	[tilespmem:$0x2850] =	vst v0  }
0x1f: {  	[tilespmem:$0x2860] =	vst v0  }
0x20: {  	[tilespmem:$0x2870] =	vst v0  }
0x21: {  	[tilespmem:$0x2880] =	vst v0  }
0x22: {  	[tilespmem:$0x2890] =	vst v0  }
0x23: {  	[tilespmem:$0x28A0] =	vst v0  }
0x24: {  	[tilespmem:$0x28B0] =	vst v0  }
0x25: {  	[tilespmem:$0x28C0] =	vst v0  }
0x26: {  	[tilespmem:$0x28D0] =	vst v0  }
0x27: {  	[tilespmem:$0x28E0] =	vst v0  }
0x28: {  	[tilespmem:$0x28F0] =	vst v0  }
0x29: {  	[tilespmem:s14], [sflag:$0x9] =	stream.linear.gather [hbm4b:s6+s3], $0x2800, $0x38;
	[tilespmem:$0x17100] =	vst v63  }
0x2a: {  	_ =	swait.ge [sflag:s10], $0x2800  }
0x2b: {  	[sflag:s10] =	ssyncset.done $0x0  }
0x2c: {  	[sflag:s10] =	ssyncadd.s32 $0xFFFFD800  }
0x2d: {  	[spmem:s16], [sflag:s15] =	dma.local [hbm:s7], $0x1400  }
0x2e: {  	_ =	swait.ge [sflag:s10], $0x1400  }
0x2f: {  	[sflag:s10] =	ssyncset.done $0x0  }
0x30: {  	[sflag:s10] =	ssyncadd.s32 $0xFFFFEC00  }
0x31: {  	[bflag:$0x0] =	sbarrier.arrive $0xFFFF  }
0x32: {  	_ =	swait.ge [sflag:s17], $0x2000  }
0x33: {  	[sflag:s17] =	ssyncset.done $0x0  }
0x34: {  	[sflag:s17] =	ssyncadd.s32 $0xFFFFE000  }
0x35: {  	[spmem:s2] =	stream.indirect.scatter.add.f32 [tilespmem:s12], [sflag:$0x5], $0x40, s14, s11, $0xb8;
	[tilespmem:$0x17100] =	vst v63  }
0x36: {  	s22 =	simm.s32 $0x100  }
0x37: {  	[tilespmem:s19], [sflag:$0x3] =	stream.indirect.gather [hbm4b:s4+s11], $0x40, s22, s11, $0xb8;
	[tilespmem:$0x17100] =	vst v63  }
0x38: {  	_ =	swait.ge [sflag:s20], $0x2000  }
0x39: {  	[sflag:s20] =	ssyncset.done $0x0  }
0x3a: {  	s28 =	simm.s32 $0x2980;
	[sflag:s20] =	ssyncadd.s32 $0xFFFFE000  }
0x3b: {  	[spmem:s2] =	stream.indirect.scatter.add.f32 [tilespmem:s13], [sflag:$0x6], $0x40, s28, s11, $0xb8;
	[tilespmem:$0x17100] =	vst v63  }
0x3c: {  	s25 =	simm.s32 $0x180  }
0x3d: {  	[tilespmem:s23], [sflag:$0x4] =	stream.indirect.gather [hbm4b:s4+s11], $0x40, s25, s11, $0xb8;
	[tilespmem:$0x17100] =	vst v63  }
0x3e: {  	_ =	swait.ge [sflag:s24], $0x2000  }
0x3f: {  	[sflag:s24] =	ssyncset.done $0x0  }
0x40: {  	s28 =	simm.s32 $0x2A00;
	[sflag:s24] =	ssyncadd.s32 $0xFFFFE000  }
0x41: {  	[spmem:s2] =	stream.indirect.scatter.add.f32 [tilespmem:s19], [sflag:$0x7], $0x40, s28, s11, $0xb8;
	[tilespmem:$0x17100] =	vst v63  }
0x42: {  	_ =	swait.ge [sflag:s26], $0x2000  }
0x43: {  	[sflag:s26] =	ssyncset.done $0x0  }
0x44: {  	s25 =	simm.s32 $0x200;
	[sflag:s26] =	ssyncadd.s32 $0xFFFFE000  }
0x45: {  	[tilespmem:s12], [sflag:$0x1] =	stream.indirect.gather [hbm4b:s4+s11], $0x40, s25, s11, $0xb8;
	[tilespmem:$0x17100] =	vst v63  }
0x46: {  	_ =	swait.ge [sflag:s29], $0x2000  }
0x47: {  	[sflag:s29] =	ssyncset.done $0x0  }
0x48: {  	[sflag:s29] =	ssyncadd.s32 $0xFFFFE000  }
0x49: {  	[spmem:s2] =	stream.indirect.scatter.add.f32 [tilespmem:s23], [sflag:$0x8], $0x40, s30, s11, $0xb8;
	[tilespmem:$0x17100] =	vst v63  }
0x4a: {  	_ =	swait.ge [sflag:s31], $0x2000  }
0x4b: {  	[sflag:s31] =	ssyncset.done $0x0  }
0x4c: {  	[sflag:s31] =	ssyncadd.s32 $0xFFFFE000  }
0x4d: {  	[tilespmem:s13], [sflag:$0x2] =	stream.indirect.gather [hbm4b:s4+s11], $0x40, s1, s11, $0xb8;
	[tilespmem:$0x17100] =	vst v63  }
0x4e: {  	_ =	swait.ge [sflag:s17], $0x2000  }
0x4f: {  	[sflag:s17] =	ssyncset.done $0x0  }
0x50: {  	s28 =	simm.s32 $0x2B00;
	[sflag:s17] =	ssyncadd.s32 $0xFFFFE000  }
0x51: {  	[spmem:s2] =	stream.indirect.scatter.add.f32 [tilespmem:s12], [sflag:$0x5], $0x40, s28, s11, $0xb8;
	[tilespmem:$0x17100] =	vst v63  }
0x52: {  	_ =	swait.ge [sflag:s0], $0x2000  }
0x53: {  	[sflag:s0] =	ssyncset.done $0x0  }
0x54: {  	s25 =	simm.s32 $0x300;
	[sflag:s0] =	ssyncadd.s32 $0xFFFFE000  }
0x55: {  	[tilespmem:s19], [sflag:$0x3] =	stream.indirect.gather [hbm4b:s4+s11], $0x40, s25, s11, $0xb8;
	[tilespmem:$0x17100] =	vst v63  }
0x56: {  	_ =	swait.ge [sflag:s20], $0x2000  }
0x57: {  	[sflag:s20] =	ssyncset.done $0x0  }
0x58: {  	s28 =	simm.s32 $0x2B80;
	[sflag:s20] =	ssyncadd.s32 $0xFFFFE000  }
0x59: {  	[spmem:s2] =	stream.indirect.scatter.add.f32 [tilespmem:s13], [sflag:$0x6], $0x40, s28, s11, $0xb8;
	[tilespmem:$0x17100] =	vst v63  }
0x5a: {  	_ =	swait.ge [sflag:s18], $0x2000  }
0x5b: {  	[sflag:s18] =	ssyncset.done $0x0  }
0x5c: {  	s25 =	simm.s32 $0x380;
	[sflag:s18] =	ssyncadd.s32 $0xFFFFE000  }
0x5d: {  	[tilespmem:s23], [sflag:$0x4] =	stream.indirect.gather [hbm4b:s4+s11], $0x40, s25, s11, $0xb8;
	[tilespmem:$0x17100] =	vst v63  }
0x5e: {  	_ =	swait.ge [sflag:s24], $0x2000  }
0x5f: {  	[sflag:s24] =	ssyncset.done $0x0  }
0x60: {  	s28 =	simm.s32 $0x2C00;
	[sflag:s24] =	ssyncadd.s32 $0xFFFFE000  }
0x61: {  	[spmem:s2] =	stream.indirect.scatter.add.f32 [tilespmem:s19], [sflag:$0x7], $0x40, s28, s11, $0xb8;
	[tilespmem:$0x17100] =	vst v63  }
0x62: {  	_ =	swait.ge [sflag:s26], $0x2000  }
0x63: {  	[sflag:s26] =	ssyncset.done $0x0  }
0x64: {  	s25 =	simm.s32 $0x400;
	[sflag:s26] =	ssyncadd.s32 $0xFFFFE000  }
0x65: {  	[tilespmem:s12], [sflag:$0x1] =	stream.indirect.gather [hbm4b:s4+s11], $0x40, s25, s11, $0xb8;
	[tilespmem:$0x17100] =	vst v63  }
0x66: {  	_ =	swait.ge [sflag:s29], $0x2000  }
0x67: {  	[sflag:s29] =	ssyncset.done $0x0  }
0x68: {  	s28 =	simm.s32 $0x2C80;
	[sflag:s29] =	ssyncadd.s32 $0xFFFFE000  }
0x69: {  	[spmem:s2] =	stream.indirect.scatter.add.f32 [tilespmem:s23], [sflag:$0x8], $0x40, s28, s11, $0xb8;
	[tilespmem:$0x17100] =	vst v63  }
0x6a: {  	_ =	swait.ge [sflag:s31], $0x2000  }
0x6b: {  	[sflag:s31] =	ssyncset.done $0x0  }
0x6c: {  	s22 =	simm.s32 $0x800;
	s25 =	simm.s32 $0x480;
	[sflag:s31] =	ssyncadd.s32 $0xFFFFE000  }
.LBB2_2:
0x6d: {  	[tilespmem:s13], [sflag:$0x2] =	stream.indirect.gather [hbm4b:s4+s11], $0x40, s25, s11, $0xb8;
	[tilespmem:$0x17100] =	vst v63  }
0x6e: {  	s25 =	smov.u32 s22  }
0x6f: {  	p0 =	sne.s32 s22, $0x9000;
	s22 =	sadd.s32 $0x800, s22;
	_ =	swait.ge [sflag:s17], $0x2000  }
0x70: {  	s25 =	sshra.s32 s25, $0x2;
	[sflag:s17] =	ssyncset.done $0x0  }
0x71: {  	s28 =	sadd.s32 $0x2B00, s25;
	[sflag:s17] =	ssyncadd.s32 $0xFFFFE000  }
0x72: {  	[spmem:s2] =	stream.indirect.scatter.add.f32 [tilespmem:s12], [sflag:$0x5], $0x40, s28, s11, $0xb8;
	[tilespmem:$0x17100] =	vst v63  }
0x73: {  	_ =	swait.ge [sflag:s0], $0x2000  }
0x74: {  	[sflag:s0] =	ssyncset.done $0x0  }
0x75: {  	s28 =	sadd.s32 $0x300, s25;
	[sflag:s0] =	ssyncadd.s32 $0xFFFFE000  }
0x76: {  	[tilespmem:s19], [sflag:$0x3] =	stream.indirect.gather [hbm4b:s4+s11], $0x40, s28, s11, $0xb8;
	[tilespmem:$0x17100] =	vst v63  }
0x77: {  	_ =	swait.ge [sflag:s20], $0x2000  }
0x78: {  	[sflag:s20] =	ssyncset.done $0x0  }
0x79: {  	s28 =	sadd.s32 $0x2B80, s25;
	[sflag:s20] =	ssyncadd.s32 $0xFFFFE000  }
0x7a: {  	[spmem:s2] =	stream.indirect.scatter.add.f32 [tilespmem:s13], [sflag:$0x6], $0x40, s28, s11, $0xb8;
	[tilespmem:$0x17100] =	vst v63  }
0x7b: {  	_ =	swait.ge [sflag:s18], $0x2000  }
0x7c: {  	[sflag:s18] =	ssyncset.done $0x0  }
0x7d: {  	s28 =	sadd.s32 $0x380, s25;
	[sflag:s18] =	ssyncadd.s32 $0xFFFFE000  }
0x7e: {  	[tilespmem:s23], [sflag:$0x4] =	stream.indirect.gather [hbm4b:s4+s11], $0x40, s28, s11, $0xb8;
	[tilespmem:$0x17100] =	vst v63  }
0x7f: {  	_ =	swait.ge [sflag:s24], $0x2000  }
0x80: {  	[sflag:s24] =	ssyncset.done $0x0  }
0x81: {  	s28 =	sadd.s32 $0x2C00, s25;
	[sflag:s24] =	ssyncadd.s32 $0xFFFFE000  }
0x82: {  	[spmem:s2] =	stream.indirect.scatter.add.f32 [tilespmem:s19], [sflag:$0x7], $0x40, s28, s11, $0xb8;
	[tilespmem:$0x17100] =	vst v63  }
0x83: {  	_ =	swait.ge [sflag:s26], $0x2000  }
0x84: {  	[sflag:s26] =	ssyncset.done $0x0  }
0x85: {  	s28 =	sadd.s32 $0x400, s25;
	[sflag:s26] =	ssyncadd.s32 $0xFFFFE000  }
0x86: {  	[tilespmem:s12], [sflag:$0x1] =	stream.indirect.gather [hbm4b:s4+s11], $0x40, s28, s11, $0xb8;
	[tilespmem:$0x17100] =	vst v63  }
0x87: {  	_ =	swait.ge [sflag:s29], $0x2000  }
0x88: {  	[sflag:s29] =	ssyncset.done $0x0  }
.Ltmp0:
0x89: {  	s28 =	sadd.s32 $0x2C80, s25;
	[sflag:s29] =	ssyncadd.s32 $0xFFFFE000;
	(pc) =	sbr.rel @p0 .LBB2_2-.Ltmp0, $4  }
0x8a: {  	[spmem:s2] =	stream.indirect.scatter.add.f32 [tilespmem:s23], [sflag:$0x8], $0x40, s28, s11, $0xb8;
	[tilespmem:$0x17100] =	vst v63  }
0x8b: {  	_ =	swait.ge [sflag:s31], $0x2000  }
0x8c: {  	[sflag:s31] =	ssyncset.done $0x0  }
0x8d: {  	s25 =	sadd.s32 $0x480, s25;
	[sflag:s31] =	ssyncadd.s32 $0xFFFFE000  }
0x8e: {  	[tilespmem:s13], [sflag:$0x2] =	stream.indirect.gather [hbm4b:s4+s11], $0x40, s25, s11, $0xb8;
	[tilespmem:$0x17100] =	vst v63  }
0x8f: {  	_ =	swait.ge [sflag:s0], $0x2000  }
0x90: {  	[sflag:s0] =	ssyncset.done $0x0  }
0x91: {  	[sflag:s0] =	ssyncadd.s32 $0xFFFFE000  }
0x92: {  	_ =	swait.ge [sflag:s18], $0x2000  }
0x93: {  	[sflag:s18] =	ssyncset.done $0x0  }
0x94: {  	[sflag:s18] =	ssyncadd.s32 $0xFFFFE000  }
0x95: {  	_ =	swait.ge [sflag:s17], $0x2000  }
0x96: {  	[sflag:s17] =	ssyncset.done $0x0  }
0x97: {  	[sflag:s17] =	ssyncadd.s32 $0xFFFFE000  }
0x98: {  	_ =	swait.ge [sflag:s20], $0x2000  }
0x99: {  	s21 =	sadd.s32 $0x1, s21;
	[sflag:s20] =	ssyncset.done $0x0  }
0x9a: {  	p0 =	sne.s32 s21, s9;
	[sflag:s20] =	ssyncadd.s32 $0xFFFFE000  }
.Ltmp1:
0x9b: {  	[bflag:$0x0] =	sbarrier.arrive $0xFFFF;
	(pc) =	sbr.rel @p0 .LBB2_1-.Ltmp1, $4  }
0x9c: {  	[hbm:s8], [sflag:s15] =	dma.local [spmem:s16], $0x1400  }
0x9d: {  	_ =	swait.ge [sflag:s10], $0x1400  }
0x9e: {  	[sflag:s10] =	ssyncset.done $0x0  }
0x9f: {  	[sflag:s10] =	ssyncadd.s32 $0xFFFFEC00  }
0xa0: {  	_ =	sfence.sel $0x180000  }
0xa1: {  	[bflag:$0x0] =	sbarrier.arrive $0xFFFF  }
0xa2: {  	_ =	strace $0x90000047  }
0xa3: {  	s0 =	stileid.u32;
	[bflag:$0x2] =	sbarrier.arrive $0xFFFF  }
0xa4: {  	p0 =	sne.s32 s0, $0x0;
	s0 =	rddreg [dreg:$0x2]  }
0xa5: {  	s0 =	sadd.s32 @!p0 $0x100000, s0  }
0xa6: {  	[sflag:s0] =	ssyncadd.tile.s32 @!p0 $0x1;
	_ =	shalt  }
.Lfunc_end2:
_tile_overlayer_lowered:
.L_overlay_start_2:
0xa7: {  	(tag) =	ssettag $0x2  }
0xa8: {  	s0 =	rddreg [dreg:$0x0];
	s2 =	stileid.u32  }
0xa9: {  	s1 =	rddreg [dreg:$0x1];
	p0 =	sne.s32 s2, $0x0  }
0xaa: {  	s3 =	rddreg [dreg:$0x2];
	[bflag:$0x3] =	sbarrier.arrive $0xFFFF;
	s2 =	simm.s32 @!p0 $0x1C09  }
0xab: {  	[timem:s3], [sflag:s2] =	dma.local @!p0 [hbm:s0], s1  }
0xac: {  	s0 =	simm.s32 @!p0 $0x9  }
0xad: {  	_ =	swait.ge @!p0 [sflag:s0], s1  }
0xae: {  	s1 =	ssub.s32 @!p0 $0x0, s1;
	[sflag:s0] =	ssyncset.done @!p0 $0x0  }
0xaf: {  	[sflag:s0] =	ssyncadd.s32 @!p0 s1  }
0xb0: {  	[bflag:$0x3] =	sbarrier.arrive $0xFFFF  }
0xb1: {  	_ =	shalt  }

</sc_bundles>
